<compile_context>
chip_gen: v7x
topology: tpu7x:2x2x1
jax: 0.10.2.dev20260603
libtpu: 0.0.44.dev20260713+nightly
codegen_flags: <defaults>
</compile_context>

<pallas_src>
import math

import jax
import jax.numpy as jnp
from jax.experimental import pallas as pl
from jax.experimental.pallas import tpu as pltpu

_B, _T, _M, _DIN = 50, 500, 4, 128
_D, _H = 128, 4
_C = _D // _H
_BT = _B * _T
_FB = 1000


def _lane(x, m):
    return x[:, m * _D:(m + 1) * _D]


def _cat(a, b):
    return jnp.concatenate([a, b], axis=1)


_PAIRS = [(0, 1), (0, 2), (0, 3), (1, 0), (1, 2), (1, 3),
          (2, 0), (2, 1), (2, 3), (3, 0), (3, 1), (3, 2)]


def _attn_layer(hs, Wc, bc, u, w, gamma, beta, S2, J2):
    qkvr = [jnp.dot(h, Wc, preferred_element_type=jnp.float32) + bc
            for h in hs]
    q = [_lane(t, 0) for t in qkvr]
    k = [_lane(t, 1) for t in qkvr]
    v = [_lane(t, 2) for t in qkvr]
    r = [_lane(t, 3) for t in qkvr]

    e = {}
    for t in range(6):
        (i0, j0), (i1, j1) = _PAIRS[2 * t], _PAIRS[2 * t + 1]
        prod = _cat(q[i0] * k[j0], q[i1] * k[j1])
        a2 = jnp.dot(prod, S2, preferred_element_type=jnp.float32)
        ee = jnp.exp(a2)
        e[(i0, j0)] = ee[:, :_D]
        e[(i1, j1)] = ee[:, _D:]

    out = []
    for i in range(_M):
        js = [j for j in range(_M) if j != i]
        rden = 1.0 / (e[(i, js[0])] + e[(i, js[1])] + e[(i, js[2])] + 1e-16)
        out.append((e[(i, js[0])] * v[js[0]] + e[(i, js[1])] * v[js[1]]
                    + e[(i, js[2])] * v[js[2]]) * rden)

    gin = [out[i] * u + r[i] * w for i in range(_M)]
    gp01 = jnp.dot(_cat(gin[0], gin[1]), J2, preferred_element_type=jnp.float32)
    gp23 = jnp.dot(_cat(gin[2], gin[3]), J2, preferred_element_type=jnp.float32)
    gp = [gp01[:, :_D], gp01[:, _D:], gp23[:, :_D], gp23[:, _D:]]

    hh = [None] * _M
    for i in range(_M):
        gt = jax.nn.sigmoid(gp[i])
        hh[i] = gt * r[i] + (1.0 - gt) * out[i]

    mu01 = jnp.dot(_cat(hh[0], hh[1]), J2, preferred_element_type=jnp.float32)
    mu23 = jnp.dot(_cat(hh[2], hh[3]), J2, preferred_element_type=jnp.float32)
    s201 = jnp.dot(_cat(hh[0] * hh[0], hh[1] * hh[1]), J2,
                   preferred_element_type=jnp.float32)
    s223 = jnp.dot(_cat(hh[2] * hh[2], hh[3] * hh[3]), J2,
                   preferred_element_type=jnp.float32)
    mu = [mu01[:, :_D], mu01[:, _D:], mu23[:, :_D], mu23[:, _D:]]
    s2 = [s201[:, :_D], s201[:, _D:], s223[:, :_D], s223[:, _D:]]

    hn = []
    for i in range(_M):
        m_i = mu[i] * (1.0 / _D)
        var = s2[i] * (1.0 / _D) - m_i * m_i
        hn.append(jnp.maximum(
            (hh[i] - m_i) * jax.lax.rsqrt(var + 1e-5) * gamma + beta, 0.0))
    return hn


def _gnn_kernel(x_ref, E2_ref, bemb2_ref,
                W1_ref, b1_ref, u1_ref, w1_ref, g1_ref, be1_ref,
                W2_ref, b2_ref, u2_ref, w2_ref, g2_ref, be2_ref,
                S2_ref, J2_ref, out_ref):
    S2 = S2_ref[...]
    J2 = J2_ref[...]
    E2 = E2_ref[...]
    bemb2 = bemb2_ref[...]
    x = x_ref[...]
    h01 = jnp.maximum(jnp.dot(x[:, :2 * _D], E2,
                              preferred_element_type=jnp.float32) + bemb2, 0.0)
    h23 = jnp.maximum(jnp.dot(x[:, 2 * _D:], E2,
                              preferred_element_type=jnp.float32) + bemb2, 0.0)
    hs = [h01[:, :_D], h01[:, _D:], h23[:, :_D], h23[:, _D:]]
    hs = _attn_layer(hs, W1_ref[...], b1_ref[...], u1_ref[...], w1_ref[...],
                     g1_ref[...], be1_ref[...], S2, J2)
    hs = _attn_layer(hs, W2_ref[...], b2_ref[...], u2_ref[...], w2_ref[...],
                     g2_ref[...], be2_ref[...], S2, J2)
    for m in range(_M):
        out_ref[:, m * _D:(m + 1) * _D] = hs[m]


def kernel(x, W_emb, b_emb,
           Wq1, bq1, Wk1, bk1, Wv1, bv1, Ws1, bs1, Wb1, g1, be1,
           Wq2, bq2, Wk2, bk2, Wv2, bv2, Ws2, bs2, Wb2, g2, be2):
    Bx, Tx, Mx, Dx = x.shape
    BT = Bx * Tx
    xf = x.reshape(BT, Mx * Dx)

    W1 = jnp.concatenate([Wq1, Wk1, Wv1, Ws1], axis=1)
    b1 = jnp.concatenate([bq1, bk1, bv1, bs1]).reshape(1, 4 * _D)
    W2 = jnp.concatenate([Wq2, Wk2, Wv2, Ws2], axis=1)
    b2 = jnp.concatenate([bq2, bk2, bv2, bs2]).reshape(1, 4 * _D)
    u1 = (Wb1[0:_D, 0] + Wb1[2 * _D:3 * _D, 0]).reshape(1, _D)
    w1 = (Wb1[_D:2 * _D, 0] - Wb1[2 * _D:3 * _D, 0]).reshape(1, _D)
    u2 = (Wb2[0:_D, 0] + Wb2[2 * _D:3 * _D, 0]).reshape(1, _D)
    w2 = (Wb2[_D:2 * _D, 0] - Wb2[2 * _D:3 * _D, 0]).reshape(1, _D)

    S = jnp.kron(jnp.eye(_H, dtype=jnp.float32),
                 jnp.full((_C, _C), 1.0 / math.sqrt(_C), dtype=jnp.float32))
    eye2 = jnp.eye(2, dtype=jnp.float32)
    S2 = jnp.kron(eye2, S)
    J2 = jnp.kron(eye2, jnp.ones((_D, _D), dtype=jnp.float32))
    E2 = jnp.kron(eye2, W_emb)
    bemb2 = jnp.concatenate([b_emb, b_emb]).reshape(1, 2 * _D)

    wspec = lambda shape: pl.BlockSpec(shape, lambda i: (0, 0))
    grid = BT // _FB

    out = pl.pallas_call(
        _gnn_kernel,
        grid=(grid,),
        in_specs=[
            pl.BlockSpec((_FB, Mx * Dx), lambda i: (i, 0)),
            wspec((2 * Dx, 2 * _D)), wspec((1, 2 * _D)),
            wspec((_D, 4 * _D)), wspec((1, 4 * _D)), wspec((1, _D)),
            wspec((1, _D)), wspec((1, _D)), wspec((1, _D)),
            wspec((_D, 4 * _D)), wspec((1, 4 * _D)), wspec((1, _D)),
            wspec((1, _D)), wspec((1, _D)), wspec((1, _D)),
            wspec((2 * _D, 2 * _D)), wspec((2 * _D, 2 * _D)),
        ],
        out_specs=pl.BlockSpec((_FB, Mx * _D), lambda i: (i, 0)),
        out_shape=jax.ShapeDtypeStruct((BT, Mx * _D), jnp.float32),
        compiler_params=pltpu.CompilerParams(
            dimension_semantics=("parallel",)),
    )(xf, E2, bemb2,
      W1, b1, u1, w1, g1.reshape(1, _D), be1.reshape(1, _D),
      W2, b2, u2, w2, g2.reshape(1, _D), be2.reshape(1, _D),
      S2, J2)

    return out.reshape(Bx, Tx, Mx, _D)

# --- scband reference (transcript-rebuilt; emitter-appended) ---
"""Pipeline reference for scband-spatial-mouse-gnn-25537875542266 (READ-ONLY COPY).

The authoritative reference and input builder live on the scoring server;
editing this copy changes nothing except your own understanding.
"""

import jax, jax.numpy as jnp
import numpy as np

B, T, M, D_IN = 50, 500, 4, 128
D, H = 128, 4
C = D // H


def setup_inputs(seed: int = 0) -> dict:
    key = jax.random.key(seed)
    ks = jax.random.split(key, 32)

    def w(k, shape, scale=0.05):
        return jax.random.normal(k, shape, dtype=jnp.float32) * scale

    inp = {"x": jax.random.normal(ks[0], (B, T, M, D_IN), dtype=jnp.float32)}
    inp["W_emb"] = w(ks[1], (D_IN, D))
    inp["b_emb"] = jnp.zeros((D,), jnp.float32)
    i = 2
    for l in (1, 2):
        for nm, shape in [("Wq", (D, D)), ("bq", (D,)), ("Wk", (D, D)), ("bk", (D,)),
                          ("Wv", (D, D)), ("bv", (D,)), ("Ws", (D, D)), ("bs", (D,)),
                          ("Wb", (3 * D, 1))]:
            inp[f"{nm}{l}"] = w(ks[i], shape)
            i += 1
        inp[f"g{l}"] = jnp.ones((D,), jnp.float32)
        inp[f"be{l}"] = jnp.zeros((D,), jnp.float32)
    return inp


def _edge_index(bt):
    # fully-connected 4-mouse clique per frame, replicated bt times
    base_src = jnp.array([0, 0, 0, 1, 1, 1, 2, 2, 2, 3, 3, 3], dtype=jnp.int32)
    base_dst = jnp.array([1, 2, 3, 0, 2, 3, 0, 1, 3, 0, 1, 2], dtype=jnp.int32)
    offsets = jnp.arange(bt, dtype=jnp.int32) * M
    src = (base_src[:, None] + offsets[None, :]).reshape(-1)
    dst = (base_dst[:, None] + offsets[None, :]).reshape(-1)
    return src, dst


def _tconv(x, src, dst, Wq, bq, Wk, bk, Wv, bv, Ws, bs, Wb):
    # PyG TransformerConv (concat=True, root_weight=True, beta=True), eval mode (no dropout)
    N = x.shape[0]
    q = (x @ Wq + bq).reshape(N, H, C)
    k = (x @ Wk + bk).reshape(N, H, C)
    v = (x @ Wv + bv).reshape(N, H, C)
    alpha = (q[dst] * k[src]).sum(-1) / jnp.sqrt(float(C))  # [E, H]
    amax = jax.ops.segment_max(alpha, dst, num_segments=N)
    amax = jnp.where(jnp.isfinite(amax), amax, 0.0)
    ex = jnp.exp(alpha - amax[dst])
    den = jax.ops.segment_sum(ex, dst, num_segments=N)
    a = ex / (den[dst] + 1e-16)
    out = jax.ops.segment_sum(a[..., None] * v[src], dst, num_segments=N).reshape(N, D)
    r = x @ Ws + bs
    g = jax.nn.sigmoid(jnp.concatenate([out, r, out - r], axis=-1) @ Wb)  # [N, 1]
    return g * r + (1.0 - g) * out


def _ln(h, gamma, beta, eps=1e-5):
    mu = h.mean(-1, keepdims=True)
    var = h.var(-1, keepdims=True)
    return (h - mu) / jnp.sqrt(var + eps) * gamma + beta


def reference(x, W_emb, b_emb,
              Wq1, bq1, Wk1, bk1, Wv1, bv1, Ws1, bs1, Wb1, g1, be1,
              Wq2, bq2, Wk2, bk2, Wv2, bv2, Ws2, bs2, Wb2, g2, be2):
    Bx, Tx, Mx, Dx = x.shape
    N = Bx * Tx * Mx
    xf = x.reshape(N, Dx)
    h = jax.nn.relu(xf @ W_emb + b_emb)
    src, dst = _edge_index(Bx * Tx)
    h = _tconv(h, src, dst, Wq1, bq1, Wk1, bk1, Wv1, bv1, Ws1, bs1, Wb1)
    h = jax.nn.relu(_ln(h, g1, be1))
    h = _tconv(h, src, dst, Wq2, bq2, Wk2, bk2, Wv2, bv2, Ws2, bs2, Wb2)
    h = jax.nn.relu(_ln(h, g2, be2))
    return h.reshape(Bx, Tx, Mx, D)

if __name__ == "__main__":
    import jax
    _d = setup_inputs()
    print(jax.jit(kernel)(*tuple(_d.values())))

</pallas_src>

<mosaic_0001>
module attributes {stable_mosaic.version = 14 : i64} {
  func.func @_gnn_kernel(%arg0: i32, %arg1: memref<1000x512xf32, #tpu.memory_space<vmem>>, %arg2: memref<256x256xf32, #tpu.memory_space<vmem>>, %arg3: memref<1x256xf32, #tpu.memory_space<vmem>>, %arg4: memref<128x512xf32, #tpu.memory_space<vmem>>, %arg5: memref<1x512xf32, #tpu.memory_space<vmem>>, %arg6: memref<1x128xf32, #tpu.memory_space<vmem>>, %arg7: memref<1x128xf32, #tpu.memory_space<vmem>>, %arg8: memref<1x128xf32, #tpu.memory_space<vmem>>, %arg9: memref<1x128xf32, #tpu.memory_space<vmem>>, %arg10: memref<128x512xf32, #tpu.memory_space<vmem>>, %arg11: memref<1x512xf32, #tpu.memory_space<vmem>>, %arg12: memref<1x128xf32, #tpu.memory_space<vmem>>, %arg13: memref<1x128xf32, #tpu.memory_space<vmem>>, %arg14: memref<1x128xf32, #tpu.memory_space<vmem>>, %arg15: memref<1x128xf32, #tpu.memory_space<vmem>>, %arg16: memref<256x256xf32, #tpu.memory_space<vmem>>, %arg17: memref<256x256xf32, #tpu.memory_space<vmem>>, %arg18: memref<1000x512xf32, #tpu.memory_space<vmem>>) attributes {dimension_semantics = [#tpu.dimension_semantics<parallel>], iteration_bounds = array<i64: 25>, scalar_prefetch = 0 : i64, scratch_operands = 0 : i64, tpu.core_type = #tpu.core_type<tc>, window_params = [{transform_indices = @transform_0, window_bounds = array<i64: 1000, 512>}, {pipeline_mode = #tpu.pipeline_mode<synchronous>, transform_indices = @transform_1, window_bounds = array<i64: 256, 256>}, {pipeline_mode = #tpu.pipeline_mode<synchronous>, transform_indices = @transform_2, window_bounds = array<i64: 1, 256>}, {pipeline_mode = #tpu.pipeline_mode<synchronous>, transform_indices = @transform_3, window_bounds = array<i64: 128, 512>}, {pipeline_mode = #tpu.pipeline_mode<synchronous>, transform_indices = @transform_4, window_bounds = array<i64: 1, 512>}, {pipeline_mode = #tpu.pipeline_mode<synchronous>, transform_indices = @transform_5, window_bounds = array<i64: 1, 128>}, {pipeline_mode = #tpu.pipeline_mode<synchronous>, transform_indices = @transform_6, window_bounds = array<i64: 1, 128>}, {pipeline_mode = #tpu.pipeline_mode<synchronous>, transform_indices = @transform_7, window_bounds = array<i64: 1, 128>}, {pipeline_mode = #tpu.pipeline_mode<synchronous>, transform_indices = @transform_8, window_bounds = array<i64: 1, 128>}, {pipeline_mode = #tpu.pipeline_mode<synchronous>, transform_indices = @transform_9, window_bounds = array<i64: 128, 512>}, {pipeline_mode = #tpu.pipeline_mode<synchronous>, transform_indices = @transform_10, window_bounds = array<i64: 1, 512>}, {pipeline_mode = #tpu.pipeline_mode<synchronous>, transform_indices = @transform_11, window_bounds = array<i64: 1, 128>}, {pipeline_mode = #tpu.pipeline_mode<synchronous>, transform_indices = @transform_12, window_bounds = array<i64: 1, 128>}, {pipeline_mode = #tpu.pipeline_mode<synchronous>, transform_indices = @transform_13, window_bounds = array<i64: 1, 128>}, {pipeline_mode = #tpu.pipeline_mode<synchronous>, transform_indices = @transform_14, window_bounds = array<i64: 1, 128>}, {pipeline_mode = #tpu.pipeline_mode<synchronous>, transform_indices = @transform_15, window_bounds = array<i64: 256, 256>}, {pipeline_mode = #tpu.pipeline_mode<synchronous>, transform_indices = @transform_16, window_bounds = array<i64: 256, 256>}, {transform_indices = @transform_17, window_bounds = array<i64: 1000, 512>}]} {
    %get3A = arith.constant 0 : index
    %get3A_0 = arith.constant 0 : index
    %get3A_1 = vector.load %arg16[%get3A, %get3A_0] : memref<256x256xf32, #tpu.memory_space<vmem>>, vector<256x256xf32>
    %get3A_2 = arith.constant 0 : index
    %get3A_3 = arith.constant 0 : index
    %get3A_4 = vector.load %arg17[%get3A_2, %get3A_3] : memref<256x256xf32, #tpu.memory_space<vmem>>, vector<256x256xf32>
    %get3A_5 = arith.constant 0 : index
    %get3A_6 = arith.constant 0 : index
    %get3A_7 = vector.load %arg2[%get3A_5, %get3A_6] : memref<256x256xf32, #tpu.memory_space<vmem>>, vector<256x256xf32>
    %get3A_8 = arith.constant 0 : index
    %get3A_9 = arith.constant 0 : index
    %get3A_10 = vector.load %arg3[%get3A_8, %get3A_9] : memref<1x256xf32, #tpu.memory_space<vmem>>, vector<1x256xf32>
    %get3A_11 = arith.constant 0 : index
    %get3A_12 = arith.constant 0 : index
    %get3A_13 = vector.load %arg1[%get3A_11, %get3A_12] : memref<1000x512xf32, #tpu.memory_space<vmem>>, vector<1000x512xf32>
    %slice3A = vector.extract_strided_slice %get3A_13 {offsets = [0, 0], sizes = [1000, 256], strides = [1, 1]} : vector<1000x512xf32> to vector<1000x256xf32>
    %dot_general3A = arith.constant dense<0.000000e+00> : vector<1000x256xf32>
    %dot_general3A_14 = tpu.matmul %slice3A, %get3A_7, %dot_general3A {dimension_numbers = #tpu.dot_dimension_numbers<[1], [0], [0], [1], [0, 0, 1, 1], [], []>, transpose_lhs_hint = false} : vector<1000x256xf32>, vector<256x256xf32>, vector<1000x256xf32> -> vector<1000x256xf32>
    %add3A = vector.broadcast %get3A_10 : vector<1x256xf32> to vector<1000x256xf32>
    %add3A_15 = arith.addf %dot_general3A_14, %add3A : vector<1000x256xf32>
    %max3A = arith.constant 0.000000e+00 : f32
    %max3A_16 = vector.broadcast %max3A : f32 to vector<1000x256xf32>
    %max3A_17 = arith.maximumf %add3A_15, %max3A_16 : vector<1000x256xf32>
    %slice3A_18 = vector.extract_strided_slice %get3A_13 {offsets = [0, 256], sizes = [1000, 256], strides = [1, 1]} : vector<1000x512xf32> to vector<1000x256xf32>
    %dot_general3A_19 = arith.constant dense<0.000000e+00> : vector<1000x256xf32>
    %dot_general3A_20 = tpu.matmul %slice3A_18, %get3A_7, %dot_general3A_19 {dimension_numbers = #tpu.dot_dimension_numbers<[1], [0], [0], [1], [0, 0, 1, 1], [], []>, transpose_lhs_hint = false} : vector<1000x256xf32>, vector<256x256xf32>, vector<1000x256xf32> -> vector<1000x256xf32>
    %add3A_21 = vector.broadcast %get3A_10 : vector<1x256xf32> to vector<1000x256xf32>
    %add3A_22 = arith.addf %dot_general3A_20, %add3A_21 : vector<1000x256xf32>
    %max3A_23 = arith.constant 0.000000e+00 : f32
    %max3A_24 = vector.broadcast %max3A_23 : f32 to vector<1000x256xf32>
    %max3A_25 = arith.maximumf %add3A_22, %max3A_24 : vector<1000x256xf32>
    %slice3A_26 = vector.extract_strided_slice %max3A_17 {offsets = [0, 0], sizes = [1000, 128], strides = [1, 1]} : vector<1000x256xf32> to vector<1000x128xf32>
    %slice3A_27 = vector.extract_strided_slice %max3A_17 {offsets = [0, 128], sizes = [1000, 128], strides = [1, 1]} : vector<1000x256xf32> to vector<1000x128xf32>
    %slice3A_28 = vector.extract_strided_slice %max3A_25 {offsets = [0, 0], sizes = [1000, 128], strides = [1, 1]} : vector<1000x256xf32> to vector<1000x128xf32>
    %slice3A_29 = vector.extract_strided_slice %max3A_25 {offsets = [0, 128], sizes = [1000, 128], strides = [1, 1]} : vector<1000x256xf32> to vector<1000x128xf32>
    %get3A_30 = arith.constant 0 : index
    %get3A_31 = arith.constant 0 : index
    %get3A_32 = vector.load %arg4[%get3A_30, %get3A_31] : memref<128x512xf32, #tpu.memory_space<vmem>>, vector<128x512xf32>
    %get3A_33 = arith.constant 0 : index
    %get3A_34 = arith.constant 0 : index
    %get3A_35 = vector.load %arg5[%get3A_33, %get3A_34] : memref<1x512xf32, #tpu.memory_space<vmem>>, vector<1x512xf32>
    %get3A_36 = arith.constant 0 : index
    %get3A_37 = arith.constant 0 : index
    %get3A_38 = vector.load %arg6[%get3A_36, %get3A_37] : memref<1x128xf32, #tpu.memory_space<vmem>>, vector<1x128xf32>
    %get3A_39 = arith.constant 0 : index
    %get3A_40 = arith.constant 0 : index
    %get3A_41 = vector.load %arg7[%get3A_39, %get3A_40] : memref<1x128xf32, #tpu.memory_space<vmem>>, vector<1x128xf32>
    %get3A_42 = arith.constant 0 : index
    %get3A_43 = arith.constant 0 : index
    %get3A_44 = vector.load %arg8[%get3A_42, %get3A_43] : memref<1x128xf32, #tpu.memory_space<vmem>>, vector<1x128xf32>
    %get3A_45 = arith.constant 0 : index
    %get3A_46 = arith.constant 0 : index
    %get3A_47 = vector.load %arg9[%get3A_45, %get3A_46] : memref<1x128xf32, #tpu.memory_space<vmem>>, vector<1x128xf32>
    %dot_general3A_48 = arith.constant dense<0.000000e+00> : vector<1000x512xf32>
    %dot_general3A_49 = tpu.matmul %slice3A_26, %get3A_32, %dot_general3A_48 {dimension_numbers = #tpu.dot_dimension_numbers<[1], [0], [0], [1], [0, 0, 1, 1], [], []>, transpose_lhs_hint = false} : vector<1000x128xf32>, vector<128x512xf32>, vector<1000x512xf32> -> vector<1000x512xf32>
    %add3A_50 = vector.broadcast %get3A_35 : vector<1x512xf32> to vector<1000x512xf32>
    %add3A_51 = arith.addf %dot_general3A_49, %add3A_50 : vector<1000x512xf32>
    %dot_general3A_52 = arith.constant dense<0.000000e+00> : vector<1000x512xf32>
    %dot_general3A_53 = tpu.matmul %slice3A_27, %get3A_32, %dot_general3A_52 {dimension_numbers = #tpu.dot_dimension_numbers<[1], [0], [0], [1], [0, 0, 1, 1], [], []>, transpose_lhs_hint = false} : vector<1000x128xf32>, vector<128x512xf32>, vector<1000x512xf32> -> vector<1000x512xf32>
    %add3A_54 = vector.broadcast %get3A_35 : vector<1x512xf32> to vector<1000x512xf32>
    %add3A_55 = arith.addf %dot_general3A_53, %add3A_54 : vector<1000x512xf32>
    %dot_general3A_56 = arith.constant dense<0.000000e+00> : vector<1000x512xf32>
    %dot_general3A_57 = tpu.matmul %slice3A_28, %get3A_32, %dot_general3A_56 {dimension_numbers = #tpu.dot_dimension_numbers<[1], [0], [0], [1], [0, 0, 1, 1], [], []>, transpose_lhs_hint = false} : vector<1000x128xf32>, vector<128x512xf32>, vector<1000x512xf32> -> vector<1000x512xf32>
    %add3A_58 = vector.broadcast %get3A_35 : vector<1x512xf32> to vector<1000x512xf32>
    %add3A_59 = arith.addf %dot_general3A_57, %add3A_58 : vector<1000x512xf32>
    %dot_general3A_60 = arith.constant dense<0.000000e+00> : vector<1000x512xf32>
    %dot_general3A_61 = tpu.matmul %slice3A_29, %get3A_32, %dot_general3A_60 {dimension_numbers = #tpu.dot_dimension_numbers<[1], [0], [0], [1], [0, 0, 1, 1], [], []>, transpose_lhs_hint = false} : vector<1000x128xf32>, vector<128x512xf32>, vector<1000x512xf32> -> vector<1000x512xf32>
    %add3A_62 = vector.broadcast %get3A_35 : vector<1x512xf32> to vector<1000x512xf32>
    %add3A_63 = arith.addf %dot_general3A_61, %add3A_62 : vector<1000x512xf32>
    %slice3A_64 = vector.extract_strided_slice %add3A_51 {offsets = [0, 0], sizes = [1000, 128], strides = [1, 1]} : vector<1000x512xf32> to vector<1000x128xf32>
    %slice3A_65 = vector.extract_strided_slice %add3A_55 {offsets = [0, 0], sizes = [1000, 128], strides = [1, 1]} : vector<1000x512xf32> to vector<1000x128xf32>
    %slice3A_66 = vector.extract_strided_slice %add3A_59 {offsets = [0, 0], sizes = [1000, 128], strides = [1, 1]} : vector<1000x512xf32> to vector<1000x128xf32>
    %slice3A_67 = vector.extract_strided_slice %add3A_63 {offsets = [0, 0], sizes = [1000, 128], strides = [1, 1]} : vector<1000x512xf32> to vector<1000x128xf32>
    %slice3A_68 = vector.extract_strided_slice %add3A_51 {offsets = [0, 128], sizes = [1000, 128], strides = [1, 1]} : vector<1000x512xf32> to vector<1000x128xf32>
    %slice3A_69 = vector.extract_strided_slice %add3A_55 {offsets = [0, 128], sizes = [1000, 128], strides = [1, 1]} : vector<1000x512xf32> to vector<1000x128xf32>
    %slice3A_70 = vector.extract_strided_slice %add3A_59 {offsets = [0, 128], sizes = [1000, 128], strides = [1, 1]} : vector<1000x512xf32> to vector<1000x128xf32>
    %slice3A_71 = vector.extract_strided_slice %add3A_63 {offsets = [0, 128], sizes = [1000, 128], strides = [1, 1]} : vector<1000x512xf32> to vector<1000x128xf32>
    %slice3A_72 = vector.extract_strided_slice %add3A_51 {offsets = [0, 256], sizes = [1000, 128], strides = [1, 1]} : vector<1000x512xf32> to vector<1000x128xf32>
    %slice3A_73 = vector.extract_strided_slice %add3A_55 {offsets = [0, 256], sizes = [1000, 128], strides = [1, 1]} : vector<1000x512xf32> to vector<1000x128xf32>
    %slice3A_74 = vector.extract_strided_slice %add3A_59 {offsets = [0, 256], sizes = [1000, 128], strides = [1, 1]} : vector<1000x512xf32> to vector<1000x128xf32>
    %slice3A_75 = vector.extract_strided_slice %add3A_63 {offsets = [0, 256], sizes = [1000, 128], strides = [1, 1]} : vector<1000x512xf32> to vector<1000x128xf32>
    %slice3A_76 = vector.extract_strided_slice %add3A_51 {offsets = [0, 384], sizes = [1000, 128], strides = [1, 1]} : vector<1000x512xf32> to vector<1000x128xf32>
    %slice3A_77 = vector.extract_strided_slice %add3A_55 {offsets = [0, 384], sizes = [1000, 128], strides = [1, 1]} : vector<1000x512xf32> to vector<1000x128xf32>
    %slice3A_78 = vector.extract_strided_slice %add3A_59 {offsets = [0, 384], sizes = [1000, 128], strides = [1, 1]} : vector<1000x512xf32> to vector<1000x128xf32>
    %slice3A_79 = vector.extract_strided_slice %add3A_63 {offsets = [0, 384], sizes = [1000, 128], strides = [1, 1]} : vector<1000x512xf32> to vector<1000x128xf32>
    %mul3A = arith.mulf %slice3A_64, %slice3A_69 : vector<1000x128xf32>
    %mul3A_80 = arith.mulf %slice3A_64, %slice3A_70 : vector<1000x128xf32>
    %concatenate3A = tpu.concatenate %mul3A, %mul3A_80 in 1 : vector<1000x128xf32>, vector<1000x128xf32> -> vector<1000x256xf32>
    %dot_general3A_81 = arith.constant dense<0.000000e+00> : vector<1000x256xf32>
    %dot_general3A_82 = tpu.matmul %concatenate3A, %get3A_1, %dot_general3A_81 {dimension_numbers = #tpu.dot_dimension_numbers<[1], [0], [0], [1], [0, 0, 1, 1], [], []>, transpose_lhs_hint = false} : vector<1000x256xf32>, vector<256x256xf32>, vector<1000x256xf32> -> vector<1000x256xf32>
    %exp3A = math.exp %dot_general3A_82 : vector<1000x256xf32>
    %slice3A_83 = vector.extract_strided_slice %exp3A {offsets = [0, 0], sizes = [1000, 128], strides = [1, 1]} : vector<1000x256xf32> to vector<1000x128xf32>
    %slice3A_84 = vector.extract_strided_slice %exp3A {offsets = [0, 128], sizes = [1000, 128], strides = [1, 1]} : vector<1000x256xf32> to vector<1000x128xf32>
    %mul3A_85 = arith.mulf %slice3A_64, %slice3A_71 : vector<1000x128xf32>
    %mul3A_86 = arith.mulf %slice3A_65, %slice3A_68 : vector<1000x128xf32>
    %concatenate3A_87 = tpu.concatenate %mul3A_85, %mul3A_86 in 1 : vector<1000x128xf32>, vector<1000x128xf32> -> vector<1000x256xf32>
    %dot_general3A_88 = arith.constant dense<0.000000e+00> : vector<1000x256xf32>
    %dot_general3A_89 = tpu.matmul %concatenate3A_87, %get3A_1, %dot_general3A_88 {dimension_numbers = #tpu.dot_dimension_numbers<[1], [0], [0], [1], [0, 0, 1, 1], [], []>, transpose_lhs_hint = false} : vector<1000x256xf32>, vector<256x256xf32>, vector<1000x256xf32> -> vector<1000x256xf32>
    %exp3A_90 = math.exp %dot_general3A_89 : vector<1000x256xf32>
    %slice3A_91 = vector.extract_strided_slice %exp3A_90 {offsets = [0, 0], sizes = [1000, 128], strides = [1, 1]} : vector<1000x256xf32> to vector<1000x128xf32>
    %slice3A_92 = vector.extract_strided_slice %exp3A_90 {offsets = [0, 128], sizes = [1000, 128], strides = [1, 1]} : vector<1000x256xf32> to vector<1000x128xf32>
    %mul3A_93 = arith.mulf %slice3A_65, %slice3A_70 : vector<1000x128xf32>
    %mul3A_94 = arith.mulf %slice3A_65, %slice3A_71 : vector<1000x128xf32>
    %concatenate3A_95 = tpu.concatenate %mul3A_93, %mul3A_94 in 1 : vector<1000x128xf32>, vector<1000x128xf32> -> vector<1000x256xf32>
    %dot_general3A_96 = arith.constant dense<0.000000e+00> : vector<1000x256xf32>
    %dot_general3A_97 = tpu.matmul %concatenate3A_95, %get3A_1, %dot_general3A_96 {dimension_numbers = #tpu.dot_dimension_numbers<[1], [0], [0], [1], [0, 0, 1, 1], [], []>, transpose_lhs_hint = false} : vector<1000x256xf32>, vector<256x256xf32>, vector<1000x256xf32> -> vector<1000x256xf32>
    %exp3A_98 = math.exp %dot_general3A_97 : vector<1000x256xf32>
    %slice3A_99 = vector.extract_strided_slice %exp3A_98 {offsets = [0, 0], sizes = [1000, 128], strides = [1, 1]} : vector<1000x256xf32> to vector<1000x128xf32>
    %slice3A_100 = vector.extract_strided_slice %exp3A_98 {offsets = [0, 128], sizes = [1000, 128], strides = [1, 1]} : vector<1000x256xf32> to vector<1000x128xf32>
    %mul3A_101 = arith.mulf %slice3A_66, %slice3A_68 : vector<1000x128xf32>
    %mul3A_102 = arith.mulf %slice3A_66, %slice3A_69 : vector<1000x128xf32>
    %concatenate3A_103 = tpu.concatenate %mul3A_101, %mul3A_102 in 1 : vector<1000x128xf32>, vector<1000x128xf32> -> vector<1000x256xf32>
    %dot_general3A_104 = arith.constant dense<0.000000e+00> : vector<1000x256xf32>
    %dot_general3A_105 = tpu.matmul %concatenate3A_103, %get3A_1, %dot_general3A_104 {dimension_numbers = #tpu.dot_dimension_numbers<[1], [0], [0], [1], [0, 0, 1, 1], [], []>, transpose_lhs_hint = false} : vector<1000x256xf32>, vector<256x256xf32>, vector<1000x256xf32> -> vector<1000x256xf32>
    %exp3A_106 = math.exp %dot_general3A_105 : vector<1000x256xf32>
    %slice3A_107 = vector.extract_strided_slice %exp3A_106 {offsets = [0, 0], sizes = [1000, 128], strides = [1, 1]} : vector<1000x256xf32> to vector<1000x128xf32>
    %slice3A_108 = vector.extract_strided_slice %exp3A_106 {offsets = [0, 128], sizes = [1000, 128], strides = [1, 1]} : vector<1000x256xf32> to vector<1000x128xf32>
    %mul3A_109 = arith.mulf %slice3A_66, %slice3A_71 : vector<1000x128xf32>
    %mul3A_110 = arith.mulf %slice3A_67, %slice3A_68 : vector<1000x128xf32>
    %concatenate3A_111 = tpu.concatenate %mul3A_109, %mul3A_110 in 1 : vector<1000x128xf32>, vector<1000x128xf32> -> vector<1000x256xf32>
    %dot_general3A_112 = arith.constant dense<0.000000e+00> : vector<1000x256xf32>
    %dot_general3A_113 = tpu.matmul %concatenate3A_111, %get3A_1, %dot_general3A_112 {dimension_numbers = #tpu.dot_dimension_numbers<[1], [0], [0], [1], [0, 0, 1, 1], [], []>, transpose_lhs_hint = false} : vector<1000x256xf32>, vector<256x256xf32>, vector<1000x256xf32> -> vector<1000x256xf32>
    %exp3A_114 = math.exp %dot_general3A_113 : vector<1000x256xf32>
    %slice3A_115 = vector.extract_strided_slice %exp3A_114 {offsets = [0, 0], sizes = [1000, 128], strides = [1, 1]} : vector<1000x256xf32> to vector<1000x128xf32>
    %slice3A_116 = vector.extract_strided_slice %exp3A_114 {offsets = [0, 128], sizes = [1000, 128], strides = [1, 1]} : vector<1000x256xf32> to vector<1000x128xf32>
    %mul3A_117 = arith.mulf %slice3A_67, %slice3A_69 : vector<1000x128xf32>
    %mul3A_118 = arith.mulf %slice3A_67, %slice3A_70 : vector<1000x128xf32>
    %concatenate3A_119 = tpu.concatenate %mul3A_117, %mul3A_118 in 1 : vector<1000x128xf32>, vector<1000x128xf32> -> vector<1000x256xf32>
    %dot_general3A_120 = arith.constant dense<0.000000e+00> : vector<1000x256xf32>
    %dot_general3A_121 = tpu.matmul %concatenate3A_119, %get3A_1, %dot_general3A_120 {dimension_numbers = #tpu.dot_dimension_numbers<[1], [0], [0], [1], [0, 0, 1, 1], [], []>, transpose_lhs_hint = false} : vector<1000x256xf32>, vector<256x256xf32>, vector<1000x256xf32> -> vector<1000x256xf32>
    %exp3A_122 = math.exp %dot_general3A_121 : vector<1000x256xf32>
    %slice3A_123 = vector.extract_strided_slice %exp3A_122 {offsets = [0, 0], sizes = [1000, 128], strides = [1, 1]} : vector<1000x256xf32> to vector<1000x128xf32>
    %slice3A_124 = vector.extract_strided_slice %exp3A_122 {offsets = [0, 128], sizes = [1000, 128], strides = [1, 1]} : vector<1000x256xf32> to vector<1000x128xf32>
    %add3A_125 = arith.addf %slice3A_83, %slice3A_84 : vector<1000x128xf32>
    %add3A_126 = arith.addf %add3A_125, %slice3A_91 : vector<1000x128xf32>
    %add3A_127 = arith.constant 1.000000e-16 : f32
    %add3A_128 = vector.broadcast %add3A_127 : f32 to vector<1000x128xf32>
    %add3A_129 = arith.addf %add3A_126, %add3A_128 : vector<1000x128xf32>
    %div3A = arith.constant 1.000000e+00 : f32
    %div3A_130 = vector.broadcast %div3A : f32 to vector<1000x128xf32>
    %div3A_131 = arith.divf %div3A_130, %add3A_129 : vector<1000x128xf32>
    %mul3A_132 = arith.mulf %slice3A_83, %slice3A_73 : vector<1000x128xf32>
    %mul3A_133 = arith.mulf %slice3A_84, %slice3A_74 : vector<1000x128xf32>
    %add3A_134 = arith.addf %mul3A_132, %mul3A_133 : vector<1000x128xf32>
    %mul3A_135 = arith.mulf %slice3A_91, %slice3A_75 : vector<1000x128xf32>
    %add3A_136 = arith.addf %add3A_134, %mul3A_135 : vector<1000x128xf32>
    %mul3A_137 = arith.mulf %add3A_136, %div3A_131 : vector<1000x128xf32>
    %add3A_138 = arith.addf %slice3A_92, %slice3A_99 : vector<1000x128xf32>
    %add3A_139 = arith.addf %add3A_138, %slice3A_100 : vector<1000x128xf32>
    %add3A_140 = arith.constant 1.000000e-16 : f32
    %add3A_141 = vector.broadcast %add3A_140 : f32 to vector<1000x128xf32>
    %add3A_142 = arith.addf %add3A_139, %add3A_141 : vector<1000x128xf32>
    %div3A_143 = arith.constant 1.000000e+00 : f32
    %div3A_144 = vector.broadcast %div3A_143 : f32 to vector<1000x128xf32>
    %div3A_145 = arith.divf %div3A_144, %add3A_142 : vector<1000x128xf32>
    %mul3A_146 = arith.mulf %slice3A_92, %slice3A_72 : vector<1000x128xf32>
    %mul3A_147 = arith.mulf %slice3A_99, %slice3A_74 : vector<1000x128xf32>
    %add3A_148 = arith.addf %mul3A_146, %mul3A_147 : vector<1000x128xf32>
    %mul3A_149 = arith.mulf %slice3A_100, %slice3A_75 : vector<1000x128xf32>
    %add3A_150 = arith.addf %add3A_148, %mul3A_149 : vector<1000x128xf32>
    %mul3A_151 = arith.mulf %add3A_150, %div3A_145 : vector<1000x128xf32>
    %add3A_152 = arith.addf %slice3A_107, %slice3A_108 : vector<1000x128xf32>
    %add3A_153 = arith.addf %add3A_152, %slice3A_115 : vector<1000x128xf32>
    %add3A_154 = arith.constant 1.000000e-16 : f32
    %add3A_155 = vector.broadcast %add3A_154 : f32 to vector<1000x128xf32>
    %add3A_156 = arith.addf %add3A_153, %add3A_155 : vector<1000x128xf32>
    %div3A_157 = arith.constant 1.000000e+00 : f32
    %div3A_158 = vector.broadcast %div3A_157 : f32 to vector<1000x128xf32>
    %div3A_159 = arith.divf %div3A_158, %add3A_156 : vector<1000x128xf32>
    %mul3A_160 = arith.mulf %slice3A_107, %slice3A_72 : vector<1000x128xf32>
    %mul3A_161 = arith.mulf %slice3A_108, %slice3A_73 : vector<1000x128xf32>
    %add3A_162 = arith.addf %mul3A_160, %mul3A_161 : vector<1000x128xf32>
    %mul3A_163 = arith.mulf %slice3A_115, %slice3A_75 : vector<1000x128xf32>
    %add3A_164 = arith.addf %add3A_162, %mul3A_163 : vector<1000x128xf32>
    %mul3A_165 = arith.mulf %add3A_164, %div3A_159 : vector<1000x128xf32>
    %add3A_166 = arith.addf %slice3A_116, %slice3A_123 : vector<1000x128xf32>
    %add3A_167 = arith.addf %add3A_166, %slice3A_124 : vector<1000x128xf32>
    %add3A_168 = arith.constant 1.000000e-16 : f32
    %add3A_169 = vector.broadcast %add3A_168 : f32 to vector<1000x128xf32>
    %add3A_170 = arith.addf %add3A_167, %add3A_169 : vector<1000x128xf32>
    %div3A_171 = arith.constant 1.000000e+00 : f32
    %div3A_172 = vector.broadcast %div3A_171 : f32 to vector<1000x128xf32>
    %div3A_173 = arith.divf %div3A_172, %add3A_170 : vector<1000x128xf32>
    %mul3A_174 = arith.mulf %slice3A_116, %slice3A_72 : vector<1000x128xf32>
    %mul3A_175 = arith.mulf %slice3A_123, %slice3A_73 : vector<1000x128xf32>
    %add3A_176 = arith.addf %mul3A_174, %mul3A_175 : vector<1000x128xf32>
    %mul3A_177 = arith.mulf %slice3A_124, %slice3A_74 : vector<1000x128xf32>
    %add3A_178 = arith.addf %add3A_176, %mul3A_177 : vector<1000x128xf32>
    %mul3A_179 = arith.mulf %add3A_178, %div3A_173 : vector<1000x128xf32>
    %mul3A_180 = vector.broadcast %get3A_38 : vector<1x128xf32> to vector<1000x128xf32>
    %mul3A_181 = arith.mulf %mul3A_137, %mul3A_180 : vector<1000x128xf32>
    %mul3A_182 = vector.broadcast %get3A_41 : vector<1x128xf32> to vector<1000x128xf32>
    %mul3A_183 = arith.mulf %slice3A_76, %mul3A_182 : vector<1000x128xf32>
    %add3A_184 = arith.addf %mul3A_181, %mul3A_183 : vector<1000x128xf32>
    %mul3A_185 = vector.broadcast %get3A_38 : vector<1x128xf32> to vector<1000x128xf32>
    %mul3A_186 = arith.mulf %mul3A_151, %mul3A_185 : vector<1000x128xf32>
    %mul3A_187 = vector.broadcast %get3A_41 : vector<1x128xf32> to vector<1000x128xf32>
    %mul3A_188 = arith.mulf %slice3A_77, %mul3A_187 : vector<1000x128xf32>
    %add3A_189 = arith.addf %mul3A_186, %mul3A_188 : vector<1000x128xf32>
    %mul3A_190 = vector.broadcast %get3A_38 : vector<1x128xf32> to vector<1000x128xf32>
    %mul3A_191 = arith.mulf %mul3A_165, %mul3A_190 : vector<1000x128xf32>
    %mul3A_192 = vector.broadcast %get3A_41 : vector<1x128xf32> to vector<1000x128xf32>
    %mul3A_193 = arith.mulf %slice3A_78, %mul3A_192 : vector<1000x128xf32>
    %add3A_194 = arith.addf %mul3A_191, %mul3A_193 : vector<1000x128xf32>
    %mul3A_195 = vector.broadcast %get3A_38 : vector<1x128xf32> to vector<1000x128xf32>
    %mul3A_196 = arith.mulf %mul3A_179, %mul3A_195 : vector<1000x128xf32>
    %mul3A_197 = vector.broadcast %get3A_41 : vector<1x128xf32> to vector<1000x128xf32>
    %mul3A_198 = arith.mulf %slice3A_79, %mul3A_197 : vector<1000x128xf32>
    %add3A_199 = arith.addf %mul3A_196, %mul3A_198 : vector<1000x128xf32>
    %concatenate3A_200 = tpu.concatenate %add3A_184, %add3A_189 in 1 : vector<1000x128xf32>, vector<1000x128xf32> -> vector<1000x256xf32>
    %dot_general3A_201 = arith.constant dense<0.000000e+00> : vector<1000x256xf32>
    %dot_general3A_202 = tpu.matmul %concatenate3A_200, %get3A_4, %dot_general3A_201 {dimension_numbers = #tpu.dot_dimension_numbers<[1], [0], [0], [1], [0, 0, 1, 1], [], []>, transpose_lhs_hint = false} : vector<1000x256xf32>, vector<256x256xf32>, vector<1000x256xf32> -> vector<1000x256xf32>
    %concatenate3A_203 = tpu.concatenate %add3A_194, %add3A_199 in 1 : vector<1000x128xf32>, vector<1000x128xf32> -> vector<1000x256xf32>
    %dot_general3A_204 = arith.constant dense<0.000000e+00> : vector<1000x256xf32>
    %dot_general3A_205 = tpu.matmul %concatenate3A_203, %get3A_4, %dot_general3A_204 {dimension_numbers = #tpu.dot_dimension_numbers<[1], [0], [0], [1], [0, 0, 1, 1], [], []>, transpose_lhs_hint = false} : vector<1000x256xf32>, vector<256x256xf32>, vector<1000x256xf32> -> vector<1000x256xf32>
    %slice3A_206 = vector.extract_strided_slice %dot_general3A_202 {offsets = [0, 0], sizes = [1000, 128], strides = [1, 1]} : vector<1000x256xf32> to vector<1000x128xf32>
    %slice3A_207 = vector.extract_strided_slice %dot_general3A_202 {offsets = [0, 128], sizes = [1000, 128], strides = [1, 1]} : vector<1000x256xf32> to vector<1000x128xf32>
    %slice3A_208 = vector.extract_strided_slice %dot_general3A_205 {offsets = [0, 0], sizes = [1000, 128], strides = [1, 1]} : vector<1000x256xf32> to vector<1000x128xf32>
    %slice3A_209 = vector.extract_strided_slice %dot_general3A_205 {offsets = [0, 128], sizes = [1000, 128], strides = [1, 1]} : vector<1000x256xf32> to vector<1000x128xf32>
    %logistic3A = arith.negf %slice3A_206 : vector<1000x128xf32>
    %logistic3A_210 = math.exp %logistic3A : vector<1000x128xf32>
    %logistic3A_211 = arith.constant 1.000000e+00 : f32
    %logistic3A_212 = vector.broadcast %logistic3A_211 : f32 to vector<1000x128xf32>
    %logistic3A_213 = arith.addf %logistic3A_212, %logistic3A_210 : vector<1000x128xf32>
    %logistic3A_214 = arith.divf %logistic3A_212, %logistic3A_213 : vector<1000x128xf32>
    %mul3A_215 = arith.mulf %logistic3A_214, %slice3A_76 : vector<1000x128xf32>
    %sub3A = arith.constant 1.000000e+00 : f32
    %sub3A_216 = vector.broadcast %sub3A : f32 to vector<1000x128xf32>
    %sub3A_217 = arith.subf %sub3A_216, %logistic3A_214 : vector<1000x128xf32>
    %mul3A_218 = arith.mulf %sub3A_217, %mul3A_137 : vector<1000x128xf32>
    %add3A_219 = arith.addf %mul3A_215, %mul3A_218 : vector<1000x128xf32>
    %logistic3A_220 = arith.negf %slice3A_207 : vector<1000x128xf32>
    %logistic3A_221 = math.exp %logistic3A_220 : vector<1000x128xf32>
    %logistic3A_222 = arith.constant 1.000000e+00 : f32
    %logistic3A_223 = vector.broadcast %logistic3A_222 : f32 to vector<1000x128xf32>
    %logistic3A_224 = arith.addf %logistic3A_223, %logistic3A_221 : vector<1000x128xf32>
    %logistic3A_225 = arith.divf %logistic3A_223, %logistic3A_224 : vector<1000x128xf32>
    %mul3A_226 = arith.mulf %logistic3A_225, %slice3A_77 : vector<1000x128xf32>
    %sub3A_227 = arith.constant 1.000000e+00 : f32
    %sub3A_228 = vector.broadcast %sub3A_227 : f32 to vector<1000x128xf32>
    %sub3A_229 = arith.subf %sub3A_228, %logistic3A_225 : vector<1000x128xf32>
    %mul3A_230 = arith.mulf %sub3A_229, %mul3A_151 : vector<1000x128xf32>
    %add3A_231 = arith.addf %mul3A_226, %mul3A_230 : vector<1000x128xf32>
    %logistic3A_232 = arith.negf %slice3A_208 : vector<1000x128xf32>
    %logistic3A_233 = math.exp %logistic3A_232 : vector<1000x128xf32>
    %logistic3A_234 = arith.constant 1.000000e+00 : f32
    %logistic3A_235 = vector.broadcast %logistic3A_234 : f32 to vector<1000x128xf32>
    %logistic3A_236 = arith.addf %logistic3A_235, %logistic3A_233 : vector<1000x128xf32>
    %logistic3A_237 = arith.divf %logistic3A_235, %logistic3A_236 : vector<1000x128xf32>
    %mul3A_238 = arith.mulf %logistic3A_237, %slice3A_78 : vector<1000x128xf32>
    %sub3A_239 = arith.constant 1.000000e+00 : f32
    %sub3A_240 = vector.broadcast %sub3A_239 : f32 to vector<1000x128xf32>
    %sub3A_241 = arith.subf %sub3A_240, %logistic3A_237 : vector<1000x128xf32>
    %mul3A_242 = arith.mulf %sub3A_241, %mul3A_165 : vector<1000x128xf32>
    %add3A_243 = arith.addf %mul3A_238, %mul3A_242 : vector<1000x128xf32>
    %logistic3A_244 = arith.negf %slice3A_209 : vector<1000x128xf32>
    %logistic3A_245 = math.exp %logistic3A_244 : vector<1000x128xf32>
    %logistic3A_246 = arith.constant 1.000000e+00 : f32
    %logistic3A_247 = vector.broadcast %logistic3A_246 : f32 to vector<1000x128xf32>
    %logistic3A_248 = arith.addf %logistic3A_247, %logistic3A_245 : vector<1000x128xf32>
    %logistic3A_249 = arith.divf %logistic3A_247, %logistic3A_248 : vector<1000x128xf32>
    %mul3A_250 = arith.mulf %logistic3A_249, %slice3A_79 : vector<1000x128xf32>
    %sub3A_251 = arith.constant 1.000000e+00 : f32
    %sub3A_252 = vector.broadcast %sub3A_251 : f32 to vector<1000x128xf32>
    %sub3A_253 = arith.subf %sub3A_252, %logistic3A_249 : vector<1000x128xf32>
    %mul3A_254 = arith.mulf %sub3A_253, %mul3A_179 : vector<1000x128xf32>
    %add3A_255 = arith.addf %mul3A_250, %mul3A_254 : vector<1000x128xf32>
    %concatenate3A_256 = tpu.concatenate %add3A_219, %add3A_231 in 1 : vector<1000x128xf32>, vector<1000x128xf32> -> vector<1000x256xf32>
    %dot_general3A_257 = arith.constant dense<0.000000e+00> : vector<1000x256xf32>
    %dot_general3A_258 = tpu.matmul %concatenate3A_256, %get3A_4, %dot_general3A_257 {dimension_numbers = #tpu.dot_dimension_numbers<[1], [0], [0], [1], [0, 0, 1, 1], [], []>, transpose_lhs_hint = false} : vector<1000x256xf32>, vector<256x256xf32>, vector<1000x256xf32> -> vector<1000x256xf32>
    %concatenate3A_259 = tpu.concatenate %add3A_243, %add3A_255 in 1 : vector<1000x128xf32>, vector<1000x128xf32> -> vector<1000x256xf32>
    %dot_general3A_260 = arith.constant dense<0.000000e+00> : vector<1000x256xf32>
    %dot_general3A_261 = tpu.matmul %concatenate3A_259, %get3A_4, %dot_general3A_260 {dimension_numbers = #tpu.dot_dimension_numbers<[1], [0], [0], [1], [0, 0, 1, 1], [], []>, transpose_lhs_hint = false} : vector<1000x256xf32>, vector<256x256xf32>, vector<1000x256xf32> -> vector<1000x256xf32>
    %mul3A_262 = arith.mulf %add3A_219, %add3A_219 : vector<1000x128xf32>
    %mul3A_263 = arith.mulf %add3A_231, %add3A_231 : vector<1000x128xf32>
    %concatenate3A_264 = tpu.concatenate %mul3A_262, %mul3A_263 in 1 : vector<1000x128xf32>, vector<1000x128xf32> -> vector<1000x256xf32>
    %dot_general3A_265 = arith.constant dense<0.000000e+00> : vector<1000x256xf32>
    %dot_general3A_266 = tpu.matmul %concatenate3A_264, %get3A_4, %dot_general3A_265 {dimension_numbers = #tpu.dot_dimension_numbers<[1], [0], [0], [1], [0, 0, 1, 1], [], []>, transpose_lhs_hint = false} : vector<1000x256xf32>, vector<256x256xf32>, vector<1000x256xf32> -> vector<1000x256xf32>
    %mul3A_267 = arith.mulf %add3A_243, %add3A_243 : vector<1000x128xf32>
    %mul3A_268 = arith.mulf %add3A_255, %add3A_255 : vector<1000x128xf32>
    %concatenate3A_269 = tpu.concatenate %mul3A_267, %mul3A_268 in 1 : vector<1000x128xf32>, vector<1000x128xf32> -> vector<1000x256xf32>
    %dot_general3A_270 = arith.constant dense<0.000000e+00> : vector<1000x256xf32>
    %dot_general3A_271 = tpu.matmul %concatenate3A_269, %get3A_4, %dot_general3A_270 {dimension_numbers = #tpu.dot_dimension_numbers<[1], [0], [0], [1], [0, 0, 1, 1], [], []>, transpose_lhs_hint = false} : vector<1000x256xf32>, vector<256x256xf32>, vector<1000x256xf32> -> vector<1000x256xf32>
    %slice3A_272 = vector.extract_strided_slice %dot_general3A_258 {offsets = [0, 0], sizes = [1000, 128], strides = [1, 1]} : vector<1000x256xf32> to vector<1000x128xf32>
    %slice3A_273 = vector.extract_strided_slice %dot_general3A_258 {offsets = [0, 128], sizes = [1000, 128], strides = [1, 1]} : vector<1000x256xf32> to vector<1000x128xf32>
    %slice3A_274 = vector.extract_strided_slice %dot_general3A_261 {offsets = [0, 0], sizes = [1000, 128], strides = [1, 1]} : vector<1000x256xf32> to vector<1000x128xf32>
    %slice3A_275 = vector.extract_strided_slice %dot_general3A_261 {offsets = [0, 128], sizes = [1000, 128], strides = [1, 1]} : vector<1000x256xf32> to vector<1000x128xf32>
    %slice3A_276 = vector.extract_strided_slice %dot_general3A_266 {offsets = [0, 0], sizes = [1000, 128], strides = [1, 1]} : vector<1000x256xf32> to vector<1000x128xf32>
    %slice3A_277 = vector.extract_strided_slice %dot_general3A_266 {offsets = [0, 128], sizes = [1000, 128], strides = [1, 1]} : vector<1000x256xf32> to vector<1000x128xf32>
    %slice3A_278 = vector.extract_strided_slice %dot_general3A_271 {offsets = [0, 0], sizes = [1000, 128], strides = [1, 1]} : vector<1000x256xf32> to vector<1000x128xf32>
    %slice3A_279 = vector.extract_strided_slice %dot_general3A_271 {offsets = [0, 128], sizes = [1000, 128], strides = [1, 1]} : vector<1000x256xf32> to vector<1000x128xf32>
    %mul3A_280 = arith.constant 7.812500e-03 : f32
    %mul3A_281 = vector.broadcast %mul3A_280 : f32 to vector<1000x128xf32>
    %mul3A_282 = arith.mulf %slice3A_272, %mul3A_281 : vector<1000x128xf32>
    %mul3A_283 = arith.constant 7.812500e-03 : f32
    %mul3A_284 = vector.broadcast %mul3A_283 : f32 to vector<1000x128xf32>
    %mul3A_285 = arith.mulf %slice3A_276, %mul3A_284 : vector<1000x128xf32>
    %mul3A_286 = arith.mulf %mul3A_282, %mul3A_282 : vector<1000x128xf32>
    %sub3A_287 = arith.subf %mul3A_285, %mul3A_286 : vector<1000x128xf32>
    %sub3A_288 = arith.subf %add3A_219, %mul3A_282 : vector<1000x128xf32>
    %add3A_289 = arith.constant 9.99999974E-6 : f32
    %add3A_290 = vector.broadcast %add3A_289 : f32 to vector<1000x128xf32>
    %add3A_291 = arith.addf %sub3A_287, %add3A_290 : vector<1000x128xf32>
    %rsqrt3A = math.rsqrt %add3A_291 : vector<1000x128xf32>
    %mul3A_292 = arith.mulf %sub3A_288, %rsqrt3A : vector<1000x128xf32>
    %mul3A_293 = vector.broadcast %get3A_44 : vector<1x128xf32> to vector<1000x128xf32>
    %mul3A_294 = arith.mulf %mul3A_292, %mul3A_293 : vector<1000x128xf32>
    %add3A_295 = vector.broadcast %get3A_47 : vector<1x128xf32> to vector<1000x128xf32>
    %add3A_296 = arith.addf %mul3A_294, %add3A_295 : vector<1000x128xf32>
    %max3A_297 = arith.constant 0.000000e+00 : f32
    %max3A_298 = vector.broadcast %max3A_297 : f32 to vector<1000x128xf32>
    %max3A_299 = arith.maximumf %add3A_296, %max3A_298 : vector<1000x128xf32>
    %mul3A_300 = arith.constant 7.812500e-03 : f32
    %mul3A_301 = vector.broadcast %mul3A_300 : f32 to vector<1000x128xf32>
    %mul3A_302 = arith.mulf %slice3A_273, %mul3A_301 : vector<1000x128xf32>
    %mul3A_303 = arith.constant 7.812500e-03 : f32
    %mul3A_304 = vector.broadcast %mul3A_303 : f32 to vector<1000x128xf32>
    %mul3A_305 = arith.mulf %slice3A_277, %mul3A_304 : vector<1000x128xf32>
    %mul3A_306 = arith.mulf %mul3A_302, %mul3A_302 : vector<1000x128xf32>
    %sub3A_307 = arith.subf %mul3A_305, %mul3A_306 : vector<1000x128xf32>
    %sub3A_308 = arith.subf %add3A_231, %mul3A_302 : vector<1000x128xf32>
    %add3A_309 = arith.constant 9.99999974E-6 : f32
    %add3A_310 = vector.broadcast %add3A_309 : f32 to vector<1000x128xf32>
    %add3A_311 = arith.addf %sub3A_307, %add3A_310 : vector<1000x128xf32>
    %rsqrt3A_312 = math.rsqrt %add3A_311 : vector<1000x128xf32>
    %mul3A_313 = arith.mulf %sub3A_308, %rsqrt3A_312 : vector<1000x128xf32>
    %mul3A_314 = vector.broadcast %get3A_44 : vector<1x128xf32> to vector<1000x128xf32>
    %mul3A_315 = arith.mulf %mul3A_313, %mul3A_314 : vector<1000x128xf32>
    %add3A_316 = vector.broadcast %get3A_47 : vector<1x128xf32> to vector<1000x128xf32>
    %add3A_317 = arith.addf %mul3A_315, %add3A_316 : vector<1000x128xf32>
    %max3A_318 = arith.constant 0.000000e+00 : f32
    %max3A_319 = vector.broadcast %max3A_318 : f32 to vector<1000x128xf32>
    %max3A_320 = arith.maximumf %add3A_317, %max3A_319 : vector<1000x128xf32>
    %mul3A_321 = arith.constant 7.812500e-03 : f32
    %mul3A_322 = vector.broadcast %mul3A_321 : f32 to vector<1000x128xf32>
    %mul3A_323 = arith.mulf %slice3A_274, %mul3A_322 : vector<1000x128xf32>
    %mul3A_324 = arith.constant 7.812500e-03 : f32
    %mul3A_325 = vector.broadcast %mul3A_324 : f32 to vector<1000x128xf32>
    %mul3A_326 = arith.mulf %slice3A_278, %mul3A_325 : vector<1000x128xf32>
    %mul3A_327 = arith.mulf %mul3A_323, %mul3A_323 : vector<1000x128xf32>
    %sub3A_328 = arith.subf %mul3A_326, %mul3A_327 : vector<1000x128xf32>
    %sub3A_329 = arith.subf %add3A_243, %mul3A_323 : vector<1000x128xf32>
    %add3A_330 = arith.constant 9.99999974E-6 : f32
    %add3A_331 = vector.broadcast %add3A_330 : f32 to vector<1000x128xf32>
    %add3A_332 = arith.addf %sub3A_328, %add3A_331 : vector<1000x128xf32>
    %rsqrt3A_333 = math.rsqrt %add3A_332 : vector<1000x128xf32>
    %mul3A_334 = arith.mulf %sub3A_329, %rsqrt3A_333 : vector<1000x128xf32>
    %mul3A_335 = vector.broadcast %get3A_44 : vector<1x128xf32> to vector<1000x128xf32>
    %mul3A_336 = arith.mulf %mul3A_334, %mul3A_335 : vector<1000x128xf32>
    %add3A_337 = vector.broadcast %get3A_47 : vector<1x128xf32> to vector<1000x128xf32>
    %add3A_338 = arith.addf %mul3A_336, %add3A_337 : vector<1000x128xf32>
    %max3A_339 = arith.constant 0.000000e+00 : f32
    %max3A_340 = vector.broadcast %max3A_339 : f32 to vector<1000x128xf32>
    %max3A_341 = arith.maximumf %add3A_338, %max3A_340 : vector<1000x128xf32>
    %mul3A_342 = arith.constant 7.812500e-03 : f32
    %mul3A_343 = vector.broadcast %mul3A_342 : f32 to vector<1000x128xf32>
    %mul3A_344 = arith.mulf %slice3A_275, %mul3A_343 : vector<1000x128xf32>
    %mul3A_345 = arith.constant 7.812500e-03 : f32
    %mul3A_346 = vector.broadcast %mul3A_345 : f32 to vector<1000x128xf32>
    %mul3A_347 = arith.mulf %slice3A_279, %mul3A_346 : vector<1000x128xf32>
    %mul3A_348 = arith.mulf %mul3A_344, %mul3A_344 : vector<1000x128xf32>
    %sub3A_349 = arith.subf %mul3A_347, %mul3A_348 : vector<1000x128xf32>
    %sub3A_350 = arith.subf %add3A_255, %mul3A_344 : vector<1000x128xf32>
    %add3A_351 = arith.constant 9.99999974E-6 : f32
    %add3A_352 = vector.broadcast %add3A_351 : f32 to vector<1000x128xf32>
    %add3A_353 = arith.addf %sub3A_349, %add3A_352 : vector<1000x128xf32>
    %rsqrt3A_354 = math.rsqrt %add3A_353 : vector<1000x128xf32>
    %mul3A_355 = arith.mulf %sub3A_350, %rsqrt3A_354 : vector<1000x128xf32>
    %mul3A_356 = vector.broadcast %get3A_44 : vector<1x128xf32> to vector<1000x128xf32>
    %mul3A_357 = arith.mulf %mul3A_355, %mul3A_356 : vector<1000x128xf32>
    %add3A_358 = vector.broadcast %get3A_47 : vector<1x128xf32> to vector<1000x128xf32>
    %add3A_359 = arith.addf %mul3A_357, %add3A_358 : vector<1000x128xf32>
    %max3A_360 = arith.constant 0.000000e+00 : f32
    %max3A_361 = vector.broadcast %max3A_360 : f32 to vector<1000x128xf32>
    %max3A_362 = arith.maximumf %add3A_359, %max3A_361 : vector<1000x128xf32>
    %get3A_363 = arith.constant 0 : index
    %get3A_364 = arith.constant 0 : index
    %get3A_365 = vector.load %arg10[%get3A_363, %get3A_364] : memref<128x512xf32, #tpu.memory_space<vmem>>, vector<128x512xf32>
    %get3A_366 = arith.constant 0 : index
    %get3A_367 = arith.constant 0 : index
    %get3A_368 = vector.load %arg11[%get3A_366, %get3A_367] : memref<1x512xf32, #tpu.memory_space<vmem>>, vector<1x512xf32>
    %get3A_369 = arith.constant 0 : index
    %get3A_370 = arith.constant 0 : index
    %get3A_371 = vector.load %arg12[%get3A_369, %get3A_370] : memref<1x128xf32, #tpu.memory_space<vmem>>, vector<1x128xf32>
    %get3A_372 = arith.constant 0 : index
    %get3A_373 = arith.constant 0 : index
    %get3A_374 = vector.load %arg13[%get3A_372, %get3A_373] : memref<1x128xf32, #tpu.memory_space<vmem>>, vector<1x128xf32>
    %get3A_375 = arith.constant 0 : index
    %get3A_376 = arith.constant 0 : index
    %get3A_377 = vector.load %arg14[%get3A_375, %get3A_376] : memref<1x128xf32, #tpu.memory_space<vmem>>, vector<1x128xf32>
    %get3A_378 = arith.constant 0 : index
    %get3A_379 = arith.constant 0 : index
    %get3A_380 = vector.load %arg15[%get3A_378, %get3A_379] : memref<1x128xf32, #tpu.memory_space<vmem>>, vector<1x128xf32>
    %dot_general3A_381 = arith.constant dense<0.000000e+00> : vector<1000x512xf32>
    %dot_general3A_382 = tpu.matmul %max3A_299, %get3A_365, %dot_general3A_381 {dimension_numbers = #tpu.dot_dimension_numbers<[1], [0], [0], [1], [0, 0, 1, 1], [], []>, transpose_lhs_hint = false} : vector<1000x128xf32>, vector<128x512xf32>, vector<1000x512xf32> -> vector<1000x512xf32>
    %add3A_383 = vector.broadcast %get3A_368 : vector<1x512xf32> to vector<1000x512xf32>
    %add3A_384 = arith.addf %dot_general3A_382, %add3A_383 : vector<1000x512xf32>
    %dot_general3A_385 = arith.constant dense<0.000000e+00> : vector<1000x512xf32>
    %dot_general3A_386 = tpu.matmul %max3A_320, %get3A_365, %dot_general3A_385 {dimension_numbers = #tpu.dot_dimension_numbers<[1], [0], [0], [1], [0, 0, 1, 1], [], []>, transpose_lhs_hint = false} : vector<1000x128xf32>, vector<128x512xf32>, vector<1000x512xf32> -> vector<1000x512xf32>
    %add3A_387 = vector.broadcast %get3A_368 : vector<1x512xf32> to vector<1000x512xf32>
    %add3A_388 = arith.addf %dot_general3A_386, %add3A_387 : vector<1000x512xf32>
    %dot_general3A_389 = arith.constant dense<0.000000e+00> : vector<1000x512xf32>
    %dot_general3A_390 = tpu.matmul %max3A_341, %get3A_365, %dot_general3A_389 {dimension_numbers = #tpu.dot_dimension_numbers<[1], [0], [0], [1], [0, 0, 1, 1], [], []>, transpose_lhs_hint = false} : vector<1000x128xf32>, vector<128x512xf32>, vector<1000x512xf32> -> vector<1000x512xf32>
    %add3A_391 = vector.broadcast %get3A_368 : vector<1x512xf32> to vector<1000x512xf32>
    %add3A_392 = arith.addf %dot_general3A_390, %add3A_391 : vector<1000x512xf32>
    %dot_general3A_393 = arith.constant dense<0.000000e+00> : vector<1000x512xf32>
    %dot_general3A_394 = tpu.matmul %max3A_362, %get3A_365, %dot_general3A_393 {dimension_numbers = #tpu.dot_dimension_numbers<[1], [0], [0], [1], [0, 0, 1, 1], [], []>, transpose_lhs_hint = false} : vector<1000x128xf32>, vector<128x512xf32>, vector<1000x512xf32> -> vector<1000x512xf32>
    %add3A_395 = vector.broadcast %get3A_368 : vector<1x512xf32> to vector<1000x512xf32>
    %add3A_396 = arith.addf %dot_general3A_394, %add3A_395 : vector<1000x512xf32>
    %slice3A_397 = vector.extract_strided_slice %add3A_384 {offsets = [0, 0], sizes = [1000, 128], strides = [1, 1]} : vector<1000x512xf32> to vector<1000x128xf32>
    %slice3A_398 = vector.extract_strided_slice %add3A_388 {offsets = [0, 0], sizes = [1000, 128], strides = [1, 1]} : vector<1000x512xf32> to vector<1000x128xf32>
    %slice3A_399 = vector.extract_strided_slice %add3A_392 {offsets = [0, 0], sizes = [1000, 128], strides = [1, 1]} : vector<1000x512xf32> to vector<1000x128xf32>
    %slice3A_400 = vector.extract_strided_slice %add3A_396 {offsets = [0, 0], sizes = [1000, 128], strides = [1, 1]} : vector<1000x512xf32> to vector<1000x128xf32>
    %slice3A_401 = vector.extract_strided_slice %add3A_384 {offsets = [0, 128], sizes = [1000, 128], strides = [1, 1]} : vector<1000x512xf32> to vector<1000x128xf32>
    %slice3A_402 = vector.extract_strided_slice %add3A_388 {offsets = [0, 128], sizes = [1000, 128], strides = [1, 1]} : vector<1000x512xf32> to vector<1000x128xf32>
    %slice3A_403 = vector.extract_strided_slice %add3A_392 {offsets = [0, 128], sizes = [1000, 128], strides = [1, 1]} : vector<1000x512xf32> to vector<1000x128xf32>
    %slice3A_404 = vector.extract_strided_slice %add3A_396 {offsets = [0, 128], sizes = [1000, 128], strides = [1, 1]} : vector<1000x512xf32> to vector<1000x128xf32>
    %slice3A_405 = vector.extract_strided_slice %add3A_384 {offsets = [0, 256], sizes = [1000, 128], strides = [1, 1]} : vector<1000x512xf32> to vector<1000x128xf32>
    %slice3A_406 = vector.extract_strided_slice %add3A_388 {offsets = [0, 256], sizes = [1000, 128], strides = [1, 1]} : vector<1000x512xf32> to vector<1000x128xf32>
    %slice3A_407 = vector.extract_strided_slice %add3A_392 {offsets = [0, 256], sizes = [1000, 128], strides = [1, 1]} : vector<1000x512xf32> to vector<1000x128xf32>
    %slice3A_408 = vector.extract_strided_slice %add3A_396 {offsets = [0, 256], sizes = [1000, 128], strides = [1, 1]} : vector<1000x512xf32> to vector<1000x128xf32>
    %slice3A_409 = vector.extract_strided_slice %add3A_384 {offsets = [0, 384], sizes = [1000, 128], strides = [1, 1]} : vector<1000x512xf32> to vector<1000x128xf32>
    %slice3A_410 = vector.extract_strided_slice %add3A_388 {offsets = [0, 384], sizes = [1000, 128], strides = [1, 1]} : vector<1000x512xf32> to vector<1000x128xf32>
    %slice3A_411 = vector.extract_strided_slice %add3A_392 {offsets = [0, 384], sizes = [1000, 128], strides = [1, 1]} : vector<1000x512xf32> to vector<1000x128xf32>
    %slice3A_412 = vector.extract_strided_slice %add3A_396 {offsets = [0, 384], sizes = [1000, 128], strides = [1, 1]} : vector<1000x512xf32> to vector<1000x128xf32>
    %mul3A_413 = arith.mulf %slice3A_397, %slice3A_402 : vector<1000x128xf32>
    %mul3A_414 = arith.mulf %slice3A_397, %slice3A_403 : vector<1000x128xf32>
    %concatenate3A_415 = tpu.concatenate %mul3A_413, %mul3A_414 in 1 : vector<1000x128xf32>, vector<1000x128xf32> -> vector<1000x256xf32>
    %dot_general3A_416 = arith.constant dense<0.000000e+00> : vector<1000x256xf32>
    %dot_general3A_417 = tpu.matmul %concatenate3A_415, %get3A_1, %dot_general3A_416 {dimension_numbers = #tpu.dot_dimension_numbers<[1], [0], [0], [1], [0, 0, 1, 1], [], []>, transpose_lhs_hint = false} : vector<1000x256xf32>, vector<256x256xf32>, vector<1000x256xf32> -> vector<1000x256xf32>
    %exp3A_418 = math.exp %dot_general3A_417 : vector<1000x256xf32>
    %slice3A_419 = vector.extract_strided_slice %exp3A_418 {offsets = [0, 0], sizes = [1000, 128], strides = [1, 1]} : vector<1000x256xf32> to vector<1000x128xf32>
    %slice3A_420 = vector.extract_strided_slice %exp3A_418 {offsets = [0, 128], sizes = [1000, 128], strides = [1, 1]} : vector<1000x256xf32> to vector<1000x128xf32>
    %mul3A_421 = arith.mulf %slice3A_397, %slice3A_404 : vector<1000x128xf32>
    %mul3A_422 = arith.mulf %slice3A_398, %slice3A_401 : vector<1000x128xf32>
    %concatenate3A_423 = tpu.concatenate %mul3A_421, %mul3A_422 in 1 : vector<1000x128xf32>, vector<1000x128xf32> -> vector<1000x256xf32>
    %dot_general3A_424 = arith.constant dense<0.000000e+00> : vector<1000x256xf32>
    %dot_general3A_425 = tpu.matmul %concatenate3A_423, %get3A_1, %dot_general3A_424 {dimension_numbers = #tpu.dot_dimension_numbers<[1], [0], [0], [1], [0, 0, 1, 1], [], []>, transpose_lhs_hint = false} : vector<1000x256xf32>, vector<256x256xf32>, vector<1000x256xf32> -> vector<1000x256xf32>
    %exp3A_426 = math.exp %dot_general3A_425 : vector<1000x256xf32>
    %slice3A_427 = vector.extract_strided_slice %exp3A_426 {offsets = [0, 0], sizes = [1000, 128], strides = [1, 1]} : vector<1000x256xf32> to vector<1000x128xf32>
    %slice3A_428 = vector.extract_strided_slice %exp3A_426 {offsets = [0, 128], sizes = [1000, 128], strides = [1, 1]} : vector<1000x256xf32> to vector<1000x128xf32>
    %mul3A_429 = arith.mulf %slice3A_398, %slice3A_403 : vector<1000x128xf32>
    %mul3A_430 = arith.mulf %slice3A_398, %slice3A_404 : vector<1000x128xf32>
    %concatenate3A_431 = tpu.concatenate %mul3A_429, %mul3A_430 in 1 : vector<1000x128xf32>, vector<1000x128xf32> -> vector<1000x256xf32>
    %dot_general3A_432 = arith.constant dense<0.000000e+00> : vector<1000x256xf32>
    %dot_general3A_433 = tpu.matmul %concatenate3A_431, %get3A_1, %dot_general3A_432 {dimension_numbers = #tpu.dot_dimension_numbers<[1], [0], [0], [1], [0, 0, 1, 1], [], []>, transpose_lhs_hint = false} : vector<1000x256xf32>, vector<256x256xf32>, vector<1000x256xf32> -> vector<1000x256xf32>
    %exp3A_434 = math.exp %dot_general3A_433 : vector<1000x256xf32>
    %slice3A_435 = vector.extract_strided_slice %exp3A_434 {offsets = [0, 0], sizes = [1000, 128], strides = [1, 1]} : vector<1000x256xf32> to vector<1000x128xf32>
    %slice3A_436 = vector.extract_strided_slice %exp3A_434 {offsets = [0, 128], sizes = [1000, 128], strides = [1, 1]} : vector<1000x256xf32> to vector<1000x128xf32>
    %mul3A_437 = arith.mulf %slice3A_399, %slice3A_401 : vector<1000x128xf32>
    %mul3A_438 = arith.mulf %slice3A_399, %slice3A_402 : vector<1000x128xf32>
    %concatenate3A_439 = tpu.concatenate %mul3A_437, %mul3A_438 in 1 : vector<1000x128xf32>, vector<1000x128xf32> -> vector<1000x256xf32>
    %dot_general3A_440 = arith.constant dense<0.000000e+00> : vector<1000x256xf32>
    %dot_general3A_441 = tpu.matmul %concatenate3A_439, %get3A_1, %dot_general3A_440 {dimension_numbers = #tpu.dot_dimension_numbers<[1], [0], [0], [1], [0, 0, 1, 1], [], []>, transpose_lhs_hint = false} : vector<1000x256xf32>, vector<256x256xf32>, vector<1000x256xf32> -> vector<1000x256xf32>
    %exp3A_442 = math.exp %dot_general3A_441 : vector<1000x256xf32>
    %slice3A_443 = vector.extract_strided_slice %exp3A_442 {offsets = [0, 0], sizes = [1000, 128], strides = [1, 1]} : vector<1000x256xf32> to vector<1000x128xf32>
    %slice3A_444 = vector.extract_strided_slice %exp3A_442 {offsets = [0, 128], sizes = [1000, 128], strides = [1, 1]} : vector<1000x256xf32> to vector<1000x128xf32>
    %mul3A_445 = arith.mulf %slice3A_399, %slice3A_404 : vector<1000x128xf32>
    %mul3A_446 = arith.mulf %slice3A_400, %slice3A_401 : vector<1000x128xf32>
    %concatenate3A_447 = tpu.concatenate %mul3A_445, %mul3A_446 in 1 : vector<1000x128xf32>, vector<1000x128xf32> -> vector<1000x256xf32>
    %dot_general3A_448 = arith.constant dense<0.000000e+00> : vector<1000x256xf32>
    %dot_general3A_449 = tpu.matmul %concatenate3A_447, %get3A_1, %dot_general3A_448 {dimension_numbers = #tpu.dot_dimension_numbers<[1], [0], [0], [1], [0, 0, 1, 1], [], []>, transpose_lhs_hint = false} : vector<1000x256xf32>, vector<256x256xf32>, vector<1000x256xf32> -> vector<1000x256xf32>
    %exp3A_450 = math.exp %dot_general3A_449 : vector<1000x256xf32>
    %slice3A_451 = vector.extract_strided_slice %exp3A_450 {offsets = [0, 0], sizes = [1000, 128], strides = [1, 1]} : vector<1000x256xf32> to vector<1000x128xf32>
    %slice3A_452 = vector.extract_strided_slice %exp3A_450 {offsets = [0, 128], sizes = [1000, 128], strides = [1, 1]} : vector<1000x256xf32> to vector<1000x128xf32>
    %mul3A_453 = arith.mulf %slice3A_400, %slice3A_402 : vector<1000x128xf32>
    %mul3A_454 = arith.mulf %slice3A_400, %slice3A_403 : vector<1000x128xf32>
    %concatenate3A_455 = tpu.concatenate %mul3A_453, %mul3A_454 in 1 : vector<1000x128xf32>, vector<1000x128xf32> -> vector<1000x256xf32>
    %dot_general3A_456 = arith.constant dense<0.000000e+00> : vector<1000x256xf32>
    %dot_general3A_457 = tpu.matmul %concatenate3A_455, %get3A_1, %dot_general3A_456 {dimension_numbers = #tpu.dot_dimension_numbers<[1], [0], [0], [1], [0, 0, 1, 1], [], []>, transpose_lhs_hint = false} : vector<1000x256xf32>, vector<256x256xf32>, vector<1000x256xf32> -> vector<1000x256xf32>
    %exp3A_458 = math.exp %dot_general3A_457 : vector<1000x256xf32>
    %slice3A_459 = vector.extract_strided_slice %exp3A_458 {offsets = [0, 0], sizes = [1000, 128], strides = [1, 1]} : vector<1000x256xf32> to vector<1000x128xf32>
    %slice3A_460 = vector.extract_strided_slice %exp3A_458 {offsets = [0, 128], sizes = [1000, 128], strides = [1, 1]} : vector<1000x256xf32> to vector<1000x128xf32>
    %add3A_461 = arith.addf %slice3A_419, %slice3A_420 : vector<1000x128xf32>
    %add3A_462 = arith.addf %add3A_461, %slice3A_427 : vector<1000x128xf32>
    %add3A_463 = arith.constant 1.000000e-16 : f32
    %add3A_464 = vector.broadcast %add3A_463 : f32 to vector<1000x128xf32>
    %add3A_465 = arith.addf %add3A_462, %add3A_464 : vector<1000x128xf32>
    %div3A_466 = arith.constant 1.000000e+00 : f32
    %div3A_467 = vector.broadcast %div3A_466 : f32 to vector<1000x128xf32>
    %div3A_468 = arith.divf %div3A_467, %add3A_465 : vector<1000x128xf32>
    %mul3A_469 = arith.mulf %slice3A_419, %slice3A_406 : vector<1000x128xf32>
    %mul3A_470 = arith.mulf %slice3A_420, %slice3A_407 : vector<1000x128xf32>
    %add3A_471 = arith.addf %mul3A_469, %mul3A_470 : vector<1000x128xf32>
    %mul3A_472 = arith.mulf %slice3A_427, %slice3A_408 : vector<1000x128xf32>
    %add3A_473 = arith.addf %add3A_471, %mul3A_472 : vector<1000x128xf32>
    %mul3A_474 = arith.mulf %add3A_473, %div3A_468 : vector<1000x128xf32>
    %add3A_475 = arith.addf %slice3A_428, %slice3A_435 : vector<1000x128xf32>
    %add3A_476 = arith.addf %add3A_475, %slice3A_436 : vector<1000x128xf32>
    %add3A_477 = arith.constant 1.000000e-16 : f32
    %add3A_478 = vector.broadcast %add3A_477 : f32 to vector<1000x128xf32>
    %add3A_479 = arith.addf %add3A_476, %add3A_478 : vector<1000x128xf32>
    %div3A_480 = arith.constant 1.000000e+00 : f32
    %div3A_481 = vector.broadcast %div3A_480 : f32 to vector<1000x128xf32>
    %div3A_482 = arith.divf %div3A_481, %add3A_479 : vector<1000x128xf32>
    %mul3A_483 = arith.mulf %slice3A_428, %slice3A_405 : vector<1000x128xf32>
    %mul3A_484 = arith.mulf %slice3A_435, %slice3A_407 : vector<1000x128xf32>
    %add3A_485 = arith.addf %mul3A_483, %mul3A_484 : vector<1000x128xf32>
    %mul3A_486 = arith.mulf %slice3A_436, %slice3A_408 : vector<1000x128xf32>
    %add3A_487 = arith.addf %add3A_485, %mul3A_486 : vector<1000x128xf32>
    %mul3A_488 = arith.mulf %add3A_487, %div3A_482 : vector<1000x128xf32>
    %add3A_489 = arith.addf %slice3A_443, %slice3A_444 : vector<1000x128xf32>
    %add3A_490 = arith.addf %add3A_489, %slice3A_451 : vector<1000x128xf32>
    %add3A_491 = arith.constant 1.000000e-16 : f32
    %add3A_492 = vector.broadcast %add3A_491 : f32 to vector<1000x128xf32>
    %add3A_493 = arith.addf %add3A_490, %add3A_492 : vector<1000x128xf32>
    %div3A_494 = arith.constant 1.000000e+00 : f32
    %div3A_495 = vector.broadcast %div3A_494 : f32 to vector<1000x128xf32>
    %div3A_496 = arith.divf %div3A_495, %add3A_493 : vector<1000x128xf32>
    %mul3A_497 = arith.mulf %slice3A_443, %slice3A_405 : vector<1000x128xf32>
    %mul3A_498 = arith.mulf %slice3A_444, %slice3A_406 : vector<1000x128xf32>
    %add3A_499 = arith.addf %mul3A_497, %mul3A_498 : vector<1000x128xf32>
    %mul3A_500 = arith.mulf %slice3A_451, %slice3A_408 : vector<1000x128xf32>
    %add3A_501 = arith.addf %add3A_499, %mul3A_500 : vector<1000x128xf32>
    %mul3A_502 = arith.mulf %add3A_501, %div3A_496 : vector<1000x128xf32>
    %add3A_503 = arith.addf %slice3A_452, %slice3A_459 : vector<1000x128xf32>
    %add3A_504 = arith.addf %add3A_503, %slice3A_460 : vector<1000x128xf32>
    %add3A_505 = arith.constant 1.000000e-16 : f32
    %add3A_506 = vector.broadcast %add3A_505 : f32 to vector<1000x128xf32>
    %add3A_507 = arith.addf %add3A_504, %add3A_506 : vector<1000x128xf32>
    %div3A_508 = arith.constant 1.000000e+00 : f32
    %div3A_509 = vector.broadcast %div3A_508 : f32 to vector<1000x128xf32>
    %div3A_510 = arith.divf %div3A_509, %add3A_507 : vector<1000x128xf32>
    %mul3A_511 = arith.mulf %slice3A_452, %slice3A_405 : vector<1000x128xf32>
    %mul3A_512 = arith.mulf %slice3A_459, %slice3A_406 : vector<1000x128xf32>
    %add3A_513 = arith.addf %mul3A_511, %mul3A_512 : vector<1000x128xf32>
    %mul3A_514 = arith.mulf %slice3A_460, %slice3A_407 : vector<1000x128xf32>
    %add3A_515 = arith.addf %add3A_513, %mul3A_514 : vector<1000x128xf32>
    %mul3A_516 = arith.mulf %add3A_515, %div3A_510 : vector<1000x128xf32>
    %mul3A_517 = vector.broadcast %get3A_371 : vector<1x128xf32> to vector<1000x128xf32>
    %mul3A_518 = arith.mulf %mul3A_474, %mul3A_517 : vector<1000x128xf32>
    %mul3A_519 = vector.broadcast %get3A_374 : vector<1x128xf32> to vector<1000x128xf32>
    %mul3A_520 = arith.mulf %slice3A_409, %mul3A_519 : vector<1000x128xf32>
    %add3A_521 = arith.addf %mul3A_518, %mul3A_520 : vector<1000x128xf32>
    %mul3A_522 = vector.broadcast %get3A_371 : vector<1x128xf32> to vector<1000x128xf32>
    %mul3A_523 = arith.mulf %mul3A_488, %mul3A_522 : vector<1000x128xf32>
    %mul3A_524 = vector.broadcast %get3A_374 : vector<1x128xf32> to vector<1000x128xf32>
    %mul3A_525 = arith.mulf %slice3A_410, %mul3A_524 : vector<1000x128xf32>
    %add3A_526 = arith.addf %mul3A_523, %mul3A_525 : vector<1000x128xf32>
    %mul3A_527 = vector.broadcast %get3A_371 : vector<1x128xf32> to vector<1000x128xf32>
    %mul3A_528 = arith.mulf %mul3A_502, %mul3A_527 : vector<1000x128xf32>
    %mul3A_529 = vector.broadcast %get3A_374 : vector<1x128xf32> to vector<1000x128xf32>
    %mul3A_530 = arith.mulf %slice3A_411, %mul3A_529 : vector<1000x128xf32>
    %add3A_531 = arith.addf %mul3A_528, %mul3A_530 : vector<1000x128xf32>
    %mul3A_532 = vector.broadcast %get3A_371 : vector<1x128xf32> to vector<1000x128xf32>
    %mul3A_533 = arith.mulf %mul3A_516, %mul3A_532 : vector<1000x128xf32>
    %mul3A_534 = vector.broadcast %get3A_374 : vector<1x128xf32> to vector<1000x128xf32>
    %mul3A_535 = arith.mulf %slice3A_412, %mul3A_534 : vector<1000x128xf32>
    %add3A_536 = arith.addf %mul3A_533, %mul3A_535 : vector<1000x128xf32>
    %concatenate3A_537 = tpu.concatenate %add3A_521, %add3A_526 in 1 : vector<1000x128xf32>, vector<1000x128xf32> -> vector<1000x256xf32>
    %dot_general3A_538 = arith.constant dense<0.000000e+00> : vector<1000x256xf32>
    %dot_general3A_539 = tpu.matmul %concatenate3A_537, %get3A_4, %dot_general3A_538 {dimension_numbers = #tpu.dot_dimension_numbers<[1], [0], [0], [1], [0, 0, 1, 1], [], []>, transpose_lhs_hint = false} : vector<1000x256xf32>, vector<256x256xf32>, vector<1000x256xf32> -> vector<1000x256xf32>
    %concatenate3A_540 = tpu.concatenate %add3A_531, %add3A_536 in 1 : vector<1000x128xf32>, vector<1000x128xf32> -> vector<1000x256xf32>
    %dot_general3A_541 = arith.constant dense<0.000000e+00> : vector<1000x256xf32>
    %dot_general3A_542 = tpu.matmul %concatenate3A_540, %get3A_4, %dot_general3A_541 {dimension_numbers = #tpu.dot_dimension_numbers<[1], [0], [0], [1], [0, 0, 1, 1], [], []>, transpose_lhs_hint = false} : vector<1000x256xf32>, vector<256x256xf32>, vector<1000x256xf32> -> vector<1000x256xf32>
    %slice3A_543 = vector.extract_strided_slice %dot_general3A_539 {offsets = [0, 0], sizes = [1000, 128], strides = [1, 1]} : vector<1000x256xf32> to vector<1000x128xf32>
    %slice3A_544 = vector.extract_strided_slice %dot_general3A_539 {offsets = [0, 128], sizes = [1000, 128], strides = [1, 1]} : vector<1000x256xf32> to vector<1000x128xf32>
    %slice3A_545 = vector.extract_strided_slice %dot_general3A_542 {offsets = [0, 0], sizes = [1000, 128], strides = [1, 1]} : vector<1000x256xf32> to vector<1000x128xf32>
    %slice3A_546 = vector.extract_strided_slice %dot_general3A_542 {offsets = [0, 128], sizes = [1000, 128], strides = [1, 1]} : vector<1000x256xf32> to vector<1000x128xf32>
    %logistic3A_547 = arith.negf %slice3A_543 : vector<1000x128xf32>
    %logistic3A_548 = math.exp %logistic3A_547 : vector<1000x128xf32>
    %logistic3A_549 = arith.constant 1.000000e+00 : f32
    %logistic3A_550 = vector.broadcast %logistic3A_549 : f32 to vector<1000x128xf32>
    %logistic3A_551 = arith.addf %logistic3A_550, %logistic3A_548 : vector<1000x128xf32>
    %logistic3A_552 = arith.divf %logistic3A_550, %logistic3A_551 : vector<1000x128xf32>
    %mul3A_553 = arith.mulf %logistic3A_552, %slice3A_409 : vector<1000x128xf32>
    %sub3A_554 = arith.constant 1.000000e+00 : f32
    %sub3A_555 = vector.broadcast %sub3A_554 : f32 to vector<1000x128xf32>
    %sub3A_556 = arith.subf %sub3A_555, %logistic3A_552 : vector<1000x128xf32>
    %mul3A_557 = arith.mulf %sub3A_556, %mul3A_474 : vector<1000x128xf32>
    %add3A_558 = arith.addf %mul3A_553, %mul3A_557 : vector<1000x128xf32>
    %logistic3A_559 = arith.negf %slice3A_544 : vector<1000x128xf32>
    %logistic3A_560 = math.exp %logistic3A_559 : vector<1000x128xf32>
    %logistic3A_561 = arith.constant 1.000000e+00 : f32
    %logistic3A_562 = vector.broadcast %logistic3A_561 : f32 to vector<1000x128xf32>
    %logistic3A_563 = arith.addf %logistic3A_562, %logistic3A_560 : vector<1000x128xf32>
    %logistic3A_564 = arith.divf %logistic3A_562, %logistic3A_563 : vector<1000x128xf32>
    %mul3A_565 = arith.mulf %logistic3A_564, %slice3A_410 : vector<1000x128xf32>
    %sub3A_566 = arith.constant 1.000000e+00 : f32
    %sub3A_567 = vector.broadcast %sub3A_566 : f32 to vector<1000x128xf32>
    %sub3A_568 = arith.subf %sub3A_567, %logistic3A_564 : vector<1000x128xf32>
    %mul3A_569 = arith.mulf %sub3A_568, %mul3A_488 : vector<1000x128xf32>
    %add3A_570 = arith.addf %mul3A_565, %mul3A_569 : vector<1000x128xf32>
    %logistic3A_571 = arith.negf %slice3A_545 : vector<1000x128xf32>
    %logistic3A_572 = math.exp %logistic3A_571 : vector<1000x128xf32>
    %logistic3A_573 = arith.constant 1.000000e+00 : f32
    %logistic3A_574 = vector.broadcast %logistic3A_573 : f32 to vector<1000x128xf32>
    %logistic3A_575 = arith.addf %logistic3A_574, %logistic3A_572 : vector<1000x128xf32>
    %logistic3A_576 = arith.divf %logistic3A_574, %logistic3A_575 : vector<1000x128xf32>
    %mul3A_577 = arith.mulf %logistic3A_576, %slice3A_411 : vector<1000x128xf32>
    %sub3A_578 = arith.constant 1.000000e+00 : f32
    %sub3A_579 = vector.broadcast %sub3A_578 : f32 to vector<1000x128xf32>
    %sub3A_580 = arith.subf %sub3A_579, %logistic3A_576 : vector<1000x128xf32>
    %mul3A_581 = arith.mulf %sub3A_580, %mul3A_502 : vector<1000x128xf32>
    %add3A_582 = arith.addf %mul3A_577, %mul3A_581 : vector<1000x128xf32>
    %logistic3A_583 = arith.negf %slice3A_546 : vector<1000x128xf32>
    %logistic3A_584 = math.exp %logistic3A_583 : vector<1000x128xf32>
    %logistic3A_585 = arith.constant 1.000000e+00 : f32
    %logistic3A_586 = vector.broadcast %logistic3A_585 : f32 to vector<1000x128xf32>
    %logistic3A_587 = arith.addf %logistic3A_586, %logistic3A_584 : vector<1000x128xf32>
    %logistic3A_588 = arith.divf %logistic3A_586, %logistic3A_587 : vector<1000x128xf32>
    %mul3A_589 = arith.mulf %logistic3A_588, %slice3A_412 : vector<1000x128xf32>
    %sub3A_590 = arith.constant 1.000000e+00 : f32
    %sub3A_591 = vector.broadcast %sub3A_590 : f32 to vector<1000x128xf32>
    %sub3A_592 = arith.subf %sub3A_591, %logistic3A_588 : vector<1000x128xf32>
    %mul3A_593 = arith.mulf %sub3A_592, %mul3A_516 : vector<1000x128xf32>
    %add3A_594 = arith.addf %mul3A_589, %mul3A_593 : vector<1000x128xf32>
    %concatenate3A_595 = tpu.concatenate %add3A_558, %add3A_570 in 1 : vector<1000x128xf32>, vector<1000x128xf32> -> vector<1000x256xf32>
    %dot_general3A_596 = arith.constant dense<0.000000e+00> : vector<1000x256xf32>
    %dot_general3A_597 = tpu.matmul %concatenate3A_595, %get3A_4, %dot_general3A_596 {dimension_numbers = #tpu.dot_dimension_numbers<[1], [0], [0], [1], [0, 0, 1, 1], [], []>, transpose_lhs_hint = false} : vector<1000x256xf32>, vector<256x256xf32>, vector<1000x256xf32> -> vector<1000x256xf32>
    %concatenate3A_598 = tpu.concatenate %add3A_582, %add3A_594 in 1 : vector<1000x128xf32>, vector<1000x128xf32> -> vector<1000x256xf32>
    %dot_general3A_599 = arith.constant dense<0.000000e+00> : vector<1000x256xf32>
    %dot_general3A_600 = tpu.matmul %concatenate3A_598, %get3A_4, %dot_general3A_599 {dimension_numbers = #tpu.dot_dimension_numbers<[1], [0], [0], [1], [0, 0, 1, 1], [], []>, transpose_lhs_hint = false} : vector<1000x256xf32>, vector<256x256xf32>, vector<1000x256xf32> -> vector<1000x256xf32>
    %mul3A_601 = arith.mulf %add3A_558, %add3A_558 : vector<1000x128xf32>
    %mul3A_602 = arith.mulf %add3A_570, %add3A_570 : vector<1000x128xf32>
    %concatenate3A_603 = tpu.concatenate %mul3A_601, %mul3A_602 in 1 : vector<1000x128xf32>, vector<1000x128xf32> -> vector<1000x256xf32>
    %dot_general3A_604 = arith.constant dense<0.000000e+00> : vector<1000x256xf32>
    %dot_general3A_605 = tpu.matmul %concatenate3A_603, %get3A_4, %dot_general3A_604 {dimension_numbers = #tpu.dot_dimension_numbers<[1], [0], [0], [1], [0, 0, 1, 1], [], []>, transpose_lhs_hint = false} : vector<1000x256xf32>, vector<256x256xf32>, vector<1000x256xf32> -> vector<1000x256xf32>
    %mul3A_606 = arith.mulf %add3A_582, %add3A_582 : vector<1000x128xf32>
    %mul3A_607 = arith.mulf %add3A_594, %add3A_594 : vector<1000x128xf32>
    %concatenate3A_608 = tpu.concatenate %mul3A_606, %mul3A_607 in 1 : vector<1000x128xf32>, vector<1000x128xf32> -> vector<1000x256xf32>
    %dot_general3A_609 = arith.constant dense<0.000000e+00> : vector<1000x256xf32>
    %dot_general3A_610 = tpu.matmul %concatenate3A_608, %get3A_4, %dot_general3A_609 {dimension_numbers = #tpu.dot_dimension_numbers<[1], [0], [0], [1], [0, 0, 1, 1], [], []>, transpose_lhs_hint = false} : vector<1000x256xf32>, vector<256x256xf32>, vector<1000x256xf32> -> vector<1000x256xf32>
    %slice3A_611 = vector.extract_strided_slice %dot_general3A_597 {offsets = [0, 0], sizes = [1000, 128], strides = [1, 1]} : vector<1000x256xf32> to vector<1000x128xf32>
    %slice3A_612 = vector.extract_strided_slice %dot_general3A_597 {offsets = [0, 128], sizes = [1000, 128], strides = [1, 1]} : vector<1000x256xf32> to vector<1000x128xf32>
    %slice3A_613 = vector.extract_strided_slice %dot_general3A_600 {offsets = [0, 0], sizes = [1000, 128], strides = [1, 1]} : vector<1000x256xf32> to vector<1000x128xf32>
    %slice3A_614 = vector.extract_strided_slice %dot_general3A_600 {offsets = [0, 128], sizes = [1000, 128], strides = [1, 1]} : vector<1000x256xf32> to vector<1000x128xf32>
    %slice3A_615 = vector.extract_strided_slice %dot_general3A_605 {offsets = [0, 0], sizes = [1000, 128], strides = [1, 1]} : vector<1000x256xf32> to vector<1000x128xf32>
    %slice3A_616 = vector.extract_strided_slice %dot_general3A_605 {offsets = [0, 128], sizes = [1000, 128], strides = [1, 1]} : vector<1000x256xf32> to vector<1000x128xf32>
    %slice3A_617 = vector.extract_strided_slice %dot_general3A_610 {offsets = [0, 0], sizes = [1000, 128], strides = [1, 1]} : vector<1000x256xf32> to vector<1000x128xf32>
    %slice3A_618 = vector.extract_strided_slice %dot_general3A_610 {offsets = [0, 128], sizes = [1000, 128], strides = [1, 1]} : vector<1000x256xf32> to vector<1000x128xf32>
    %mul3A_619 = arith.constant 7.812500e-03 : f32
    %mul3A_620 = vector.broadcast %mul3A_619 : f32 to vector<1000x128xf32>
    %mul3A_621 = arith.mulf %slice3A_611, %mul3A_620 : vector<1000x128xf32>
    %mul3A_622 = arith.constant 7.812500e-03 : f32
    %mul3A_623 = vector.broadcast %mul3A_622 : f32 to vector<1000x128xf32>
    %mul3A_624 = arith.mulf %slice3A_615, %mul3A_623 : vector<1000x128xf32>
    %mul3A_625 = arith.mulf %mul3A_621, %mul3A_621 : vector<1000x128xf32>
    %sub3A_626 = arith.subf %mul3A_624, %mul3A_625 : vector<1000x128xf32>
    %sub3A_627 = arith.subf %add3A_558, %mul3A_621 : vector<1000x128xf32>
    %add3A_628 = arith.constant 9.99999974E-6 : f32
    %add3A_629 = vector.broadcast %add3A_628 : f32 to vector<1000x128xf32>
    %add3A_630 = arith.addf %sub3A_626, %add3A_629 : vector<1000x128xf32>
    %rsqrt3A_631 = math.rsqrt %add3A_630 : vector<1000x128xf32>
    %mul3A_632 = arith.mulf %sub3A_627, %rsqrt3A_631 : vector<1000x128xf32>
    %mul3A_633 = vector.broadcast %get3A_377 : vector<1x128xf32> to vector<1000x128xf32>
    %mul3A_634 = arith.mulf %mul3A_632, %mul3A_633 : vector<1000x128xf32>
    %add3A_635 = vector.broadcast %get3A_380 : vector<1x128xf32> to vector<1000x128xf32>
    %add3A_636 = arith.addf %mul3A_634, %add3A_635 : vector<1000x128xf32>
    %max3A_637 = arith.constant 0.000000e+00 : f32
    %max3A_638 = vector.broadcast %max3A_637 : f32 to vector<1000x128xf32>
    %max3A_639 = arith.maximumf %add3A_636, %max3A_638 : vector<1000x128xf32>
    %mul3A_640 = arith.constant 7.812500e-03 : f32
    %mul3A_641 = vector.broadcast %mul3A_640 : f32 to vector<1000x128xf32>
    %mul3A_642 = arith.mulf %slice3A_612, %mul3A_641 : vector<1000x128xf32>
    %mul3A_643 = arith.constant 7.812500e-03 : f32
    %mul3A_644 = vector.broadcast %mul3A_643 : f32 to vector<1000x128xf32>
    %mul3A_645 = arith.mulf %slice3A_616, %mul3A_644 : vector<1000x128xf32>
    %mul3A_646 = arith.mulf %mul3A_642, %mul3A_642 : vector<1000x128xf32>
    %sub3A_647 = arith.subf %mul3A_645, %mul3A_646 : vector<1000x128xf32>
    %sub3A_648 = arith.subf %add3A_570, %mul3A_642 : vector<1000x128xf32>
    %add3A_649 = arith.constant 9.99999974E-6 : f32
    %add3A_650 = vector.broadcast %add3A_649 : f32 to vector<1000x128xf32>
    %add3A_651 = arith.addf %sub3A_647, %add3A_650 : vector<1000x128xf32>
    %rsqrt3A_652 = math.rsqrt %add3A_651 : vector<1000x128xf32>
    %mul3A_653 = arith.mulf %sub3A_648, %rsqrt3A_652 : vector<1000x128xf32>
    %mul3A_654 = vector.broadcast %get3A_377 : vector<1x128xf32> to vector<1000x128xf32>
    %mul3A_655 = arith.mulf %mul3A_653, %mul3A_654 : vector<1000x128xf32>
    %add3A_656 = vector.broadcast %get3A_380 : vector<1x128xf32> to vector<1000x128xf32>
    %add3A_657 = arith.addf %mul3A_655, %add3A_656 : vector<1000x128xf32>
    %max3A_658 = arith.constant 0.000000e+00 : f32
    %max3A_659 = vector.broadcast %max3A_658 : f32 to vector<1000x128xf32>
    %max3A_660 = arith.maximumf %add3A_657, %max3A_659 : vector<1000x128xf32>
    %mul3A_661 = arith.constant 7.812500e-03 : f32
    %mul3A_662 = vector.broadcast %mul3A_661 : f32 to vector<1000x128xf32>
    %mul3A_663 = arith.mulf %slice3A_613, %mul3A_662 : vector<1000x128xf32>
    %mul3A_664 = arith.constant 7.812500e-03 : f32
    %mul3A_665 = vector.broadcast %mul3A_664 : f32 to vector<1000x128xf32>
    %mul3A_666 = arith.mulf %slice3A_617, %mul3A_665 : vector<1000x128xf32>
    %mul3A_667 = arith.mulf %mul3A_663, %mul3A_663 : vector<1000x128xf32>
    %sub3A_668 = arith.subf %mul3A_666, %mul3A_667 : vector<1000x128xf32>
    %sub3A_669 = arith.subf %add3A_582, %mul3A_663 : vector<1000x128xf32>
    %add3A_670 = arith.constant 9.99999974E-6 : f32
    %add3A_671 = vector.broadcast %add3A_670 : f32 to vector<1000x128xf32>
    %add3A_672 = arith.addf %sub3A_668, %add3A_671 : vector<1000x128xf32>
    %rsqrt3A_673 = math.rsqrt %add3A_672 : vector<1000x128xf32>
    %mul3A_674 = arith.mulf %sub3A_669, %rsqrt3A_673 : vector<1000x128xf32>
    %mul3A_675 = vector.broadcast %get3A_377 : vector<1x128xf32> to vector<1000x128xf32>
    %mul3A_676 = arith.mulf %mul3A_674, %mul3A_675 : vector<1000x128xf32>
    %add3A_677 = vector.broadcast %get3A_380 : vector<1x128xf32> to vector<1000x128xf32>
    %add3A_678 = arith.addf %mul3A_676, %add3A_677 : vector<1000x128xf32>
    %max3A_679 = arith.constant 0.000000e+00 : f32
    %max3A_680 = vector.broadcast %max3A_679 : f32 to vector<1000x128xf32>
    %max3A_681 = arith.maximumf %add3A_678, %max3A_680 : vector<1000x128xf32>
    %mul3A_682 = arith.constant 7.812500e-03 : f32
    %mul3A_683 = vector.broadcast %mul3A_682 : f32 to vector<1000x128xf32>
    %mul3A_684 = arith.mulf %slice3A_614, %mul3A_683 : vector<1000x128xf32>
    %mul3A_685 = arith.constant 7.812500e-03 : f32
    %mul3A_686 = vector.broadcast %mul3A_685 : f32 to vector<1000x128xf32>
    %mul3A_687 = arith.mulf %slice3A_618, %mul3A_686 : vector<1000x128xf32>
    %mul3A_688 = arith.mulf %mul3A_684, %mul3A_684 : vector<1000x128xf32>
    %sub3A_689 = arith.subf %mul3A_687, %mul3A_688 : vector<1000x128xf32>
    %sub3A_690 = arith.subf %add3A_594, %mul3A_684 : vector<1000x128xf32>
    %add3A_691 = arith.constant 9.99999974E-6 : f32
    %add3A_692 = vector.broadcast %add3A_691 : f32 to vector<1000x128xf32>
    %add3A_693 = arith.addf %sub3A_689, %add3A_692 : vector<1000x128xf32>
    %rsqrt3A_694 = math.rsqrt %add3A_693 : vector<1000x128xf32>
    %mul3A_695 = arith.mulf %sub3A_690, %rsqrt3A_694 : vector<1000x128xf32>
    %mul3A_696 = vector.broadcast %get3A_377 : vector<1x128xf32> to vector<1000x128xf32>
    %mul3A_697 = arith.mulf %mul3A_695, %mul3A_696 : vector<1000x128xf32>
    %add3A_698 = vector.broadcast %get3A_380 : vector<1x128xf32> to vector<1000x128xf32>
    %add3A_699 = arith.addf %mul3A_697, %add3A_698 : vector<1000x128xf32>
    %max3A_700 = arith.constant 0.000000e+00 : f32
    %max3A_701 = vector.broadcast %max3A_700 : f32 to vector<1000x128xf32>
    %max3A_702 = arith.maximumf %add3A_699, %max3A_701 : vector<1000x128xf32>
    %swap3A = arith.constant 0 : index
    %swap3A_703 = arith.constant 0 : index
    %swap3A_704 = vector.load %arg18[%swap3A, %swap3A_703] : memref<1000x512xf32, #tpu.memory_space<vmem>>, vector<1000x128xf32>
    tpu.vector_store %arg18[%swap3A, %swap3A_703], %max3A_639 {strides = array<i32>} : memref<1000x512xf32, #tpu.memory_space<vmem>>, vector<1000x128xf32>,
    %swap3A_705 = arith.constant 0 : index
    %swap3A_706 = arith.constant 128 : index
    %swap3A_707 = vector.load %arg18[%swap3A_705, %swap3A_706] : memref<1000x512xf32, #tpu.memory_space<vmem>>, vector<1000x128xf32>
    tpu.vector_store %arg18[%swap3A_705, %swap3A_706], %max3A_660 {strides = array<i32>} : memref<1000x512xf32, #tpu.memory_space<vmem>>, vector<1000x128xf32>,
    %swap3A_708 = arith.constant 0 : index
    %swap3A_709 = arith.constant 256 : index
    %swap3A_710 = vector.load %arg18[%swap3A_708, %swap3A_709] : memref<1000x512xf32, #tpu.memory_space<vmem>>, vector<1000x128xf32>
    tpu.vector_store %arg18[%swap3A_708, %swap3A_709], %max3A_681 {strides = array<i32>} : memref<1000x512xf32, #tpu.memory_space<vmem>>, vector<1000x128xf32>,
    %swap3A_711 = arith.constant 0 : index
    %swap3A_712 = arith.constant 384 : index
    %swap3A_713 = vector.load %arg18[%swap3A_711, %swap3A_712] : memref<1000x512xf32, #tpu.memory_space<vmem>>, vector<1000x128xf32>
    tpu.vector_store %arg18[%swap3A_711, %swap3A_712], %max3A_702 {strides = array<i32>} : memref<1000x512xf32, #tpu.memory_space<vmem>>, vector<1000x128xf32>,
    return
  }
  func.func @transform_0(%arg0: i32) -> (i32, i32) {
    %c0_i32 = arith.constant 0 : i32
    %c0_i32_0 = arith.constant 0 : i32
    return %arg0, %c0_i32 : i32, i32
  }
  func.func @transform_1(%arg0: i32) -> (i32, i32) {
    %c0_i32 = arith.constant 0 : i32
    %c0_i32_0 = arith.constant 0 : i32
    %c0_i32_1 = arith.constant 0 : i32
    return %c0_i32, %c0_i32_0 : i32, i32
  }
  func.func @transform_2(%arg0: i32) -> (i32, i32) {
    %c0_i32 = arith.constant 0 : i32
    %c0_i32_0 = arith.constant 0 : i32
    %c0_i32_1 = arith.constant 0 : i32
    return %c0_i32, %c0_i32_0 : i32, i32
  }
  func.func @transform_3(%arg0: i32) -> (i32, i32) {
    %c0_i32 = arith.constant 0 : i32
    %c0_i32_0 = arith.constant 0 : i32
    %c0_i32_1 = arith.constant 0 : i32
    return %c0_i32, %c0_i32_0 : i32, i32
  }
  func.func @transform_4(%arg0: i32) -> (i32, i32) {
    %c0_i32 = arith.constant 0 : i32
    %c0_i32_0 = arith.constant 0 : i32
    %c0_i32_1 = arith.constant 0 : i32
    return %c0_i32, %c0_i32_0 : i32, i32
  }
  func.func @transform_5(%arg0: i32) -> (i32, i32) {
    %c0_i32 = arith.constant 0 : i32
    %c0_i32_0 = arith.constant 0 : i32
    %c0_i32_1 = arith.constant 0 : i32
    return %c0_i32, %c0_i32_0 : i32, i32
  }
  func.func @transform_6(%arg0: i32) -> (i32, i32) {
    %c0_i32 = arith.constant 0 : i32
    %c0_i32_0 = arith.constant 0 : i32
    %c0_i32_1 = arith.constant 0 : i32
    return %c0_i32, %c0_i32_0 : i32, i32
  }
  func.func @transform_7(%arg0: i32) -> (i32, i32) {
    %c0_i32 = arith.constant 0 : i32
    %c0_i32_0 = arith.constant 0 : i32
    %c0_i32_1 = arith.constant 0 : i32
    return %c0_i32, %c0_i32_0 : i32, i32
  }
  func.func @transform_8(%arg0: i32) -> (i32, i32) {
    %c0_i32 = arith.constant 0 : i32
    %c0_i32_0 = arith.constant 0 : i32
    %c0_i32_1 = arith.constant 0 : i32
    return %c0_i32, %c0_i32_0 : i32, i32
  }
  func.func @transform_9(%arg0: i32) -> (i32, i32) {
    %c0_i32 = arith.constant 0 : i32
    %c0_i32_0 = arith.constant 0 : i32
    %c0_i32_1 = arith.constant 0 : i32
    return %c0_i32, %c0_i32_0 : i32, i32
  }
  func.func @transform_10(%arg0: i32) -> (i32, i32) {
    %c0_i32 = arith.constant 0 : i32
    %c0_i32_0 = arith.constant 0 : i32
    %c0_i32_1 = arith.constant 0 : i32
    return %c0_i32, %c0_i32_0 : i32, i32
  }
  func.func @transform_11(%arg0: i32) -> (i32, i32) {
    %c0_i32 = arith.constant 0 : i32
    %c0_i32_0 = arith.constant 0 : i32
    %c0_i32_1 = arith.constant 0 : i32
    return %c0_i32, %c0_i32_0 : i32, i32
  }
  func.func @transform_12(%arg0: i32) -> (i32, i32) {
    %c0_i32 = arith.constant 0 : i32
    %c0_i32_0 = arith.constant 0 : i32
    %c0_i32_1 = arith.constant 0 : i32
    return %c0_i32, %c0_i32_0 : i32, i32
  }
  func.func @transform_13(%arg0: i32) -> (i32, i32) {
    %c0_i32 = arith.constant 0 : i32
    %c0_i32_0 = arith.constant 0 : i32
    %c0_i32_1 = arith.constant 0 : i32
    return %c0_i32, %c0_i32_0 : i32, i32
  }
  func.func @transform_14(%arg0: i32) -> (i32, i32) {
    %c0_i32 = arith.constant 0 : i32
    %c0_i32_0 = arith.constant 0 : i32
    %c0_i32_1 = arith.constant 0 : i32
    return %c0_i32, %c0_i32_0 : i32, i32
  }
  func.func @transform_15(%arg0: i32) -> (i32, i32) {
    %c0_i32 = arith.constant 0 : i32
    %c0_i32_0 = arith.constant 0 : i32
    %c0_i32_1 = arith.constant 0 : i32
    return %c0_i32, %c0_i32_0 : i32, i32
  }
  func.func @transform_16(%arg0: i32) -> (i32, i32) {
    %c0_i32 = arith.constant 0 : i32
    %c0_i32_0 = arith.constant 0 : i32
    %c0_i32_1 = arith.constant 0 : i32
    return %c0_i32, %c0_i32_0 : i32, i32
  }
  func.func @transform_17(%arg0: i32) -> (i32, i32) {
    %c0_i32 = arith.constant 0 : i32
    %c0_i32_0 = arith.constant 0 : i32
    return %arg0, %c0_i32 : i32, i32
  }
}

</mosaic_0001>

<sc_bundles>
// kernel: sparse-core-data-format-call.cloned.1.call-start
scs
called_computation_lowered:
.L_overlay_start_0:
0x0: {  	s2 =	sld [smem:$0x3FD9]  }
0x1: {  	s3 =	sld [smem:$0x3FFE];
	_ =	sdelay $0x1  }
0x2: {  	s1 =	srdreg.scid  }
0x3: {  	s0 =	sand.u32 $0x1, s1  }
0x4: {  	s19 =	sshll.u32 s0, $0xA;
	s2 =	sadd.s32 s3, s2  }
0x5: {  	s2 =	sadd.s32 s2, s19  }
0x6: {  	[smem:$0x3FAF] =	sst s2  }
0x7: {  	_ = 	snop  }
0x8: {  	s2 =	sld [smem:$0x3FC9]  }
0x9: {  	s20 =	sld [smem:$0x3FD0];
	(tm) =	ssettm $0x1  }
0xa: {  	s4 =	sld [smem:$0x3FFB];
	_ =	sdelay $0x3  }
0xb: {  	_ =	strace s4  }
0xc: {  	s4 =	sld [smem:$0x3FFC];
	_ =	sdelay $0x3  }
0xd: {  	_ =	strace s4  }
0xe: {  	s4 =	sld [smem:$0x3FFD];
	_ =	sdelay $0x3  }
0xf: {  	_ =	strace s4  }
0x10: {  	_ =	strace $0x8FFFFFFF  }
0x11: {  	s21 =	sld [smem:$0x3FDB];
	_ =	sdelay $0x1  }
0x12: {  	s5 =	simm.s32 $_scs_section_size  }
0x13: {  	s6 =	simm.s32 $_size__tile_overlayer_lowered;
	s7 =	simm.s32 $_tile_overlayer_lowered  }
0x14: {  	s24 =	simm.s32 $0x1BFF;
	s23 =	sshll.u32 s7, $0x1;
	s4 =	sadd.s32 s5, s21  }
0x15: {  	s8 =	simm.s32 $0x0;
	s22 =	sshll.u32 s6, $0x1;
	s6 =	sadd.s32 s23, s4  }
0x16: {  	[timem:s8], [sflag:s24] =	dma.local [hbm:s6], s22  }
0x17: {  	_ =	swait.ge [sflag:s24], s22  }
0x18: {  	s5 =	ssub.s32 $0x0, s22;
	[sflag:s24] =	ssyncset.done $0x0  }
0x19: {  	[sflag:s24] =	ssyncadd.s32 s5;
	_ =	sdelay $0x1  }
0x1a: {  	s25 =	simm.s32 $0x1B8B  }
0x1b: {  	_ =	swait.ge [sflag:s25], $0x1  }
0x1c: {  	[sflag:s25] =	ssyncset.done $0x0  }
0x1d: {  	s26 =	simm.s32 $0x1B8E;
	[sflag:s25] =	ssyncadd.s32 $0xFFFFFFFF  }
0x1e: {  	s27 =	simm.s32 $execute0_lowered;
	[smem:$0x3FD2] =	sst s26  }
0x1f: {  	s5 =	sshll.u32 s27, $0x1;
	_ =	strace $0x80000046;
	[dreg:$0x1] =	wrdreg $0xFFFFFFFF  }
0x20: {  	s28 =	simm.s32 $_size_execute0_lowered;
	s4 =	sadd.s32 s4, s5;
	[dreg:$0x0] =	wrdreg $0x0  }
0x21: {  	s5 =	sshll.u32 s28, $0x1;
	[dreg:$0x2] =	wrdreg s4  }
0x22: {  	[dreg:$0x3] =	wrdreg s5  }
0x23: {  	[dreg:$0x4] =	wrdreg $0xC0  }
0x24: {  	_ =	task [dreg:s8], $0x5FFFF  }
0x25: {  	[dreg:$0x1] =	wrdreg $0xFFFFFFFF  }
0x26: {  	[dreg:$0x0] =	wrdreg $0x60  }
0x27: {  	[dreg:$0x2] =	wrdreg s2  }
0x28: {  	[dreg:$0x3] =	wrdreg s20  }
0x29: {  	[dreg:$0x4] =	wrdreg $0x9  }
0x2a: {  	_ =	task.clear_ibuf [dreg:s8], $0x5FFFF;
	_ =	strace $0x90000046  }
0x2b: {  	s29 =	simm.s32 $0x9;
	_ =	strace $0x80000048  }
0x2c: {  	_ =	swait.ge [sflag:s29], $0x1  }
0x2d: {  	[sflag:s29] =	ssyncadd.s32 $0xFFFFFFFF  }
0x2e: {  	_ =	strace $0x90000048  }
0x2f: {  	_ =	sfence  }
0x30: {  	s30 =	sld [smem:$0x0];
	_ =	sdelay $0x2  }
0x31: {  	s31 =	sshll.u32 s1, $0xD;
	s1 =	sshrl.u32 s1, $0x2  }
0x32: {  	s3 =	sand.u32 $0x4000, s31;
	s1 =	sadd.s32 s1, s30  }
0x33: {  	s0 =	sor.u32 s3, s0;
	s1 =	sshll.u32 s1, $0x11  }
0x34: {  	s0 =	sor.u32 s1, s0  }
0x35: {  	s0 =	sadd.s32 $0x8F2B, s0  }
0x36: {  	[sflag:s0] =	ssyncadd.remote.s32 $0x1  }
0x37: {  	_ =	sfence.sel $0xFFFF  }
0x38: {  	[dreg:$0x0] =	wrdreg $0xFFFFFFFF;
	(pc) =	sbr.abs _section_cstart, $3  }
0x39: {  	[dreg:$0x1] =	wrdreg $0xFFFFFFFF  }
0x3a: {  	_ =	task.clear_ibuf [dreg:s8], $0x2FFFF;
	_ =	strace $0x9FFFFFFF  }
0x3b: {  	(tm) =	ssettm $0x7FFFFFFF  }
tec
execute0_lowered:
.L_overlay_start_1:
0x0: {  	(tag) =	ssettag $0x1  }
0x1: {  	s2 =	rddreg [dreg:$0x0]  }
0x2: {  	s0 =	srdreg.scid;
	s3 =	rddreg [dreg:$0x1]  }
0x3: {  	s1 =	stileid.u32;
	s5 =	simm.s32 $0x1;
	s0 =	sshll.u32 s0, $0x4  }
0x4: {  	s6 =	simm.s32 $0x2;
	s8 =	simm.s32 $0x0;
	s4 =	sand.u32 $0x10, s0  }
.Ltmp0:
0x5: {  	s9 =	simm.s32 $0x0;
	s4 =	sor.u32 s1, s4;
	(pc) =	sbr.rel .LBB1_1-.Ltmp0, $4  }
0x6: {  	s0 =	rddreg [dreg:$0x2];
	_ =	strace $0x80000047;
	s4 =	sshll.u32 s4, $0x2  }
0x7: {  	s13 =	simm.s32 $0x0;
	[sflag:s5] =	ssyncpa.u1 $0x0;
	s7 =	ssub.s32 $0xC34, s4  }
0x8: {  	s10 =	simm.s32 $0x0;
	[sflag:s6] =	ssyncpa.u1 $0x0;
	s6 =	sshrl.u32 s7, $0x7  }
0x9: {  	s12 =	simm.s32 $0x0;
	s11 =	smov.u32 s4;
	s7 =	sadd.s32 $0x2, s6  }
.LBB1_9:
0xa: {  	s15 =	sshll.u32 s12, $0xE  }
0xb: {  	s16 =	sshll.u32 s10, $0x9;
	s15 =	sand.u32 $0x4000, s15  }
0xc: {  	s16 =	sadd.s32 s3, s16;
	s15 =	sor.u32 $0x8000, s15  }
0xd: {  	[hbm4b:s16+s8] =	stream.linear.scatter [tilespmem:s15], [sflag:$0x2], s14, $0x38;
	[tilespmem:$0x10000] =	vst v63  }
.LBB1_10:
0xe: {  	p0 =	slt.u32 s12, $0x2  }
0xf: {  	p1 =	sgt.s32 @!p0 s13, $0xC31  }
0x10: {  	s14 =	smov.u32 s13;
	s15 =	sshra.s32 @!p0 s13, $0x1F;
	p1 =	por !p1, p0  }
0x11: {  	s13 =	sand.u32 @!p0 s15, s13;
	s14 =	simm.s32 @p1 $0xC31  }
0x12: {  	s13 =	ssub.s32 @!p0 s14, s13  }
0x13: {  	s13 =	sadd.s32 @!p0 $0xFFFFF3CF, s13  }
0x14: {  	s14 =	sshll.u32 @!p0 s13, $0xE  }
0x15: {  	p1 =	sgt.s32 @!p0 s13, $0x3;
	s13 =	ssub.s32 @!p0 $0x10000, s14  }
0x16: {  	s15 =	sadd.s32 $0x80, s11;
	p1 =	por !p1, p0;
	s13 =	sshrl.u32 @!p0 s13, $0x2  }
0x17: {  	s13 =	simm.s32 @!p1 $0x0;
	p1 =	sgt.s32 s15, $0xC34  }
0x18: {  	s15 =	smov.u32 @p1 s4;
	p1 =	sne.s32 s12, s7  }
.Ltmp1:
0x19: {  	_ = 	snop;
	(pc) =	sbr.rel @!p1 .LBB1_11-.Ltmp1, $4  }
0x1a: {  	s14 =	simm.s32 @!p0 $0x2  }
0x1b: {  	s9 =	sadd.s32 $0x4000, s9;
	_ =	swait.ge @!p0 [sflag:s14], s13;
	s16 =	ssub.s32 @!p0 $0x0, s13  }
0x1c: {  	s13 =	smov.u32 s10;
	s12 =	sadd.s32 $0x1, s12;
	[sflag:s14] =	ssyncset.done @!p0 $0x0  }
0x1d: {  	s10 =	smov.u32 s11;
	s11 =	smov.u32 s15;
	[sflag:s14] =	ssyncadd.s32 @!p0 s16  }
.LBB1_1:
0x1e: {  	p0 =	sgt.u32 s12, s6  }
0x1f: {  	p1 =	sgt.s32 @!p0 s11, $0xC31  }
0x20: {  	s14 =	smov.u32 s11;
	s15 =	sshra.s32 @!p0 s11, $0x1F;
	p1 =	por !p1, p0  }
0x21: {  	s15 =	sand.u32 @!p0 s15, s11;
	s14 =	simm.s32 @p1 $0xC31  }
0x22: {  	s14 =	ssub.s32 @!p0 s14, s15  }
0x23: {  	s14 =	sadd.s32 @!p0 $0xFFFFF3CF, s14  }
0x24: {  	s17 =	simm.s32 @!p0 $0x0;
	s15 =	sxor.u32 @!p0 $0xFFFFFFFF, s12;
	s16 =	sshll.u32 @!p0 s14, $0xE  }
0x25: {  	s15 =	sshll.u32 @!p0 s15, $0xE;
	p1 =	sgt.s32 @!p0 s14, $0x3;
	s14 =	ssub.s32 @!p0 $0x10000, s16  }
0x26: {  	p1 =	por !p1, p0;
	s16 =	sshll.u32 @!p0 s11, $0x9;
	s14 =	sshrl.u32 @!p0 s14, $0x2  }
0x27: {  	s15 =	sand.u32 @!p0 $0x4000, s15;
	s16 =	sadd.s32 @!p0 s2, s16;
	s14 =	simm.s32 @!p1 $0x0  }
0x28: {  	[tilespmem:s15], [sflag:$0x1] =	stream.linear.gather @!p0 [hbm4b:s16+s17], s14, $0x38;
	[tilespmem:$0x10000] =	vst v63  }
0x29: {  	p0 =	seq.s32 s12, $0x0  }
0x2a: {  	p1 =	sge.u32 @!p0 s12, s7  }
0x2b: {  	p0 =	por p0, p1  }
.Ltmp2:
0x2c: {  	_ = 	snop;
	(pc) =	sbr.rel @p0 .LBB1_10-.Ltmp2, $1  }
0x2d: {  	_ =	sdelay $0x3  }
0x2e: {  	p0 =	sgt.s32 s10, $0xC31;
	s14 =	smov.u32 s10;
	s15 =	sshra.s32 s10, $0x1F  }
0x2f: {  	s14 =	simm.s32 @!p0 $0xC31;
	s15 =	sand.u32 s15, s10  }
0x30: {  	s14 =	ssub.s32 s14, s15  }
0x31: {  	s16 =	sadd.s32 $0x4, s10;
	s14 =	sadd.s32 $0xFFFFF3CF, s14  }
0x32: {  	p1 =	slt.s32 s16, $0xC35;
	s30 =	sshll.u32 s14, $0xE  }
0x33: {  	s16 =	simm.s32 @!p1 $0xC35;
	s15 =	ssub.s32 $0x10000, s30  }
0x34: {  	p0 =	sgt.s32 s14, $0x3;
	s14 =	sshrl.u32 s15, $0x2;
	s15 =	ssub.s32 s16, s10  }
0x35: {  	s14 =	simm.s32 @p0 $0x0;
	p0 =	slt.s32 s15, $0x1  }
.Ltmp3:
0x36: {  	_ = 	snop;
	(pc) =	sbr.rel @p0 .LBB1_9-.Ltmp3, $4  }
0x37: {  	_ = 	snop  }
0x38: {  	_ =	swait.ge [sflag:s5], s14  }
0x39: {  	s31 =	ssub.s32 $0x0, s14;
	[sflag:s5] =	ssyncset.done $0x0  }
0x3a: {  	[sflag:s5] =	ssyncadd.s32 s31  }
0x3b: {  	s17 =	sand.u32 $0x4000, s9  }
0x3c: {  	s18 =	simm.s32 $0x0;
	s16 =	sor.u32 $0x8040, s17;
	s17 =	sor.u32 $0x40, s17  }
.LBB1_4:
0x3d: {  	s19 =	smov.u32 s17;
	s20 =	smov.u32 s16;
	s21 =	simm.s32 $0x0  }
.LBB1_5:
0x3e: {  	v0 =	vmov s19;
	_ =	sdelay $0x3  }
0x3f: {  	s23 =	simm.s32 $0x0  }
0x40: {  	v6 =	vld.idx.msk [tilespmem:v0+s23+$0x30 ss:$0x1], $0xffff  }
0x41: {  	v7 =	vld.idx.msk [tilespmem:v0+s23+$0xFFFFFFC0 ss:$0x1], $0xffff  }
0x42: {  	v5 =	vld.idx.msk [tilespmem:v0+s23+$0xFFFFFFD0 ss:$0x1], $0xffff  }
0x43: {  	v4 =	vld.idx.msk [tilespmem:v0+s23+$0xFFFFFFE0 ss:$0x1], $0xffff  }
0x44: {  	v3 =	vld.idx.msk [tilespmem:v0+s23+$0xFFFFFFF0 ss:$0x1], $0xffff  }
0x45: {  	v1 =	vld.idx.msk [tilespmem:v0+s23+$0x0 ss:$0x1], $0xffff  }
0x46: {  	v2 =	vld.idx.msk [tilespmem:v0+s23+$0x10 ss:$0x1], $0xffff;
	[tilespmem:s20+$0x30] =	vst v6  }
0x47: {  	s22 =	simm.s32 $0x80;
	s24 =	simm.s32 $0x400;
	[tilespmem:s20+$0xFFFFFFC0] =	vst v7;
	v6 =	vld.idx.msk [tilespmem:v0+s23+$0x20 ss:$0x1], $0xffff;
	s23 =	smov.u32 s20  }
.LBB1_6:
0x48: {  	p0 =	sne.s32 s24, $0x600;
	v7 =	vld.idx.msk [tilespmem:v0+s22+$0x30 ss:$0x1], $0xffff;
	[tilespmem:s23+$0xFFFFFFD0] =	vst v5  }
0x49: {  	v8 =	vld.idx.msk [tilespmem:v0+s22+$0xFFFFFFC0 ss:$0x1], $0xffff;
	[tilespmem:s23+$0xFFFFFFE0] =	vst v4  }
0x4a: {  	v5 =	vld.idx.msk [tilespmem:v0+s22+$0xFFFFFFD0 ss:$0x1], $0xffff;
	[tilespmem:s23+$0xFFFFFFF0] =	vst v3  }
.Ltmp4:
0x4b: {  	v4 =	vld.idx.msk [tilespmem:v0+s22+$0xFFFFFFE0 ss:$0x1], $0xffff;
	[tilespmem:s23+$0x0] =	vst v1;
	(pc) =	sbr.rel @p0 .LBB1_6-.Ltmp4, $4  }
0x4c: {  	v3 =	vld.idx.msk [tilespmem:v0+s22+$0xFFFFFFF0 ss:$0x1], $0xffff;
	[tilespmem:s23+$0x10] =	vst v2  }
0x4d: {  	v1 =	vld.idx.msk [tilespmem:v0+s22+$0x0 ss:$0x1], $0xffff;
	[tilespmem:s23+$0x20] =	vst v6;
	s23 =	sadd.s32 $0x400, s23  }
0x4e: {  	v2 =	vld.idx.msk [tilespmem:v0+s22+$0x10 ss:$0x1], $0xffff;
	[tilespmem:s23+$0x30] =	vst v7  }
0x4f: {  	[tilespmem:s23+$0xFFFFFFC0] =	vst v8;
	v6 =	vld.idx.msk [tilespmem:v0+s22+$0x20 ss:$0x1], $0xffff;
	s22 =	sshra.s32 s24, $0x2;
	s24 =	sadd.s32 $0x200, s24  }
0x50: {  	_ =	sdelay $0x2  }
0x51: {  	[tilespmem:s23+$0xFFFFFFD0] =	vst v5  }
0x52: {  	v56 =	vld.idx.msk [tilespmem:v0+s22+$0x30 ss:$0x1], $0xffff;
	[tilespmem:s23+$0xFFFFFFE0] =	vst v4  }
0x53: {  	v57 =	vld.idx.msk [tilespmem:v0+s22+$0xFFFFFFC0 ss:$0x1], $0xffff;
	[tilespmem:s23+$0xFFFFFFF0] =	vst v3  }
0x54: {  	v58 =	vld.idx.msk [tilespmem:v0+s22+$0xFFFFFFD0 ss:$0x1], $0xffff;
	[tilespmem:s23+$0x0] =	vst v1  }
0x55: {  	v59 =	vld.idx.msk [tilespmem:v0+s22+$0xFFFFFFE0 ss:$0x1], $0xffff;
	[tilespmem:s23+$0x10] =	vst v2  }
0x56: {  	v60 =	vld.idx.msk [tilespmem:v0+s22+$0xFFFFFFF0 ss:$0x1], $0xffff;
	s31 =	sadd.s32 $0x400, s23;
	[tilespmem:s23+$0x20] =	vst v6  }
0x57: {  	v61 =	vld.idx.msk [tilespmem:v0+s22+$0x0 ss:$0x1], $0xffff;
	[tilespmem:s31+$0x30] =	vst v56  }
0x58: {  	v62 =	vld.idx.msk [tilespmem:v0+s22+$0x10 ss:$0x1], $0xffff;
	s21 =	sadd.s32 $0x1, s21;
	[tilespmem:s31+$0xFFFFFFC0] =	vst v57  }
0x59: {  	v63 =	vld.idx.msk [tilespmem:v0+s22+$0x20 ss:$0x1], $0xffff;
	p0 =	sne.s32 s21, $0x8;
	[tilespmem:s31+$0xFFFFFFD0] =	vst v58  }
.Ltmp5:
0x5a: {  	[tilespmem:s31+$0xFFFFFFE0] =	vst v59;
	(pc) =	sbr.rel @p0 .LBB1_5-.Ltmp5, $4  }
0x5b: {  	[tilespmem:s31+$0xFFFFFFF0] =	vst v60  }
0x5c: {  	[tilespmem:s31+$0x0] =	vst v61  }
0x5d: {  	[tilespmem:s31+$0x10] =	vst v62  }
0x5e: {  	s20 =	sadd.s32 $0x80, s20;
	s19 =	sadd.s32 $0x200, s19;
	[tilespmem:s31+$0x20] =	vst v63  }
0x5f: {  	s18 =	sadd.s32 $0x1, s18  }
0x60: {  	p0 =	sne.s32 s18, s15  }
.Ltmp6:
0x61: {  	_ = 	snop;
	(pc) =	sbr.rel @p0 .LBB1_4-.Ltmp6, $4  }
.Ltmp7:
0x62: {  	_ = 	snop;
	(pc) =	sbr.rel @!p0 .LBB1_9-.Ltmp7, $4  }
0x63: {  	_ = 	snop  }
0x64: {  	_ = 	snop  }
0x65: {  	s16 =	sadd.s32 $0x1000, s16;
	s17 =	sadd.s32 $0x1000, s17  }
0x66: {  	_ = 	snop  }
.LBB1_11:
0x67: {  	_ =	sfence.sel $0x180000  }
0x68: {  	s2 =	simm.s32 $0x1;
	[bflag:$0x0] =	sbarrier.arrive $0xFFFF  }
0x69: {  	s31 =	simm.s32 $0x2;
	[sflag:s2] =	ssyncpa.u1 $0x1  }
0x6a: {  	[sflag:s31] =	ssyncpa.u1 $0x1  }
0x6b: {  	p0 =	sne.s32 s1, $0x0;
	_ =	strace $0x90000047  }
0x6c: {  	s0 =	sadd.s32 @!p0 $0x100000, s0;
	[bflag:$0x2] =	sbarrier.arrive $0xFFFF  }
0x6d: {  	[sflag:s0] =	ssyncadd.tile.s32 @!p0 $0x1;
	_ =	shalt  }
.Lfunc_end1:
_tile_overlayer_lowered:
.L_overlay_start_2:
0x6e: {  	(tag) =	ssettag $0x2  }
0x6f: {  	s0 =	rddreg [dreg:$0x0];
	s2 =	stileid.u32  }
0x70: {  	s1 =	rddreg [dreg:$0x1];
	p0 =	sne.s32 s2, $0x0  }
0x71: {  	s3 =	rddreg [dreg:$0x2];
	[bflag:$0x3] =	sbarrier.arrive $0xFFFF;
	s2 =	simm.s32 @!p0 $0x1C01  }
0x72: {  	[timem:s3], [sflag:s2] =	dma.local @!p0 [hbm:s0], s1  }
0x73: {  	s0 =	simm.s32 @!p0 $0x1  }
0x74: {  	_ =	swait.ge @!p0 [sflag:s0], s1  }
0x75: {  	s1 =	ssub.s32 @!p0 $0x0, s1;
	[sflag:s0] =	ssyncset.done @!p0 $0x0  }
0x76: {  	[sflag:s0] =	ssyncadd.s32 @!p0 s1  }
0x77: {  	[bflag:$0x3] =	sbarrier.arrive $0xFFFF  }
0x78: {  	_ =	shalt  }

</sc_bundles>
